<compile_context>
chip_gen: v7x
topology: tpu7x:2x2x1
jax: 0.10.2.dev20260603
libtpu: 0.0.44.dev20260713+nightly
codegen_flags: <defaults>
</compile_context>

<pallas_src>
import jax
import jax.numpy as jnp
from jax import lax
from jax.experimental import pallas as pl
from jax.experimental.pallas import tpu as pltpu
from jax.experimental.pallas import tpu_sc as plsc

_E = 320000
_N = 10000
_H = 128
_NG = 512
_EPS = 1e-5

_NC = 2
_NS = 16
_NW = _NC * _NS
_EPW = _E // _NW
_B = 80
_NBLK = _EPW // _B


_SUBS = 5
_BIGB = _SUBS * _B
_NBIG = _EPW // _BIGB


def _sc_agg_body(edge_hbm, ei0_hbm, batch_hbm, zeros_hbm, out_hbm,
                 batch_v, ei_v, *rest):
    rows = rest[0:2]
    gids = (rest[2:2 + _SUBS], rest[2 + _SUBS:2 + 2 * _SUBS])
    dsems = rest[2 + 2 * _SUBS:4 + 2 * _SUBS]
    ssems = rest[4 + 2 * _SUBS:6 + 2 * _SUBS]
    acc_sh = rest[6 + 2 * _SUBS]
    c = lax.axis_index("c")
    s = lax.axis_index("s")
    wid = s * _NC + c
    ebase = wid * _EPW

    pltpu.sync_copy(batch_hbm, batch_v)
    pltpu.sync_copy(ei0_hbm.at[pl.ds(ebase, _EPW)], ei_v)

    @pl.when(s == 0)
    def _zero():
        pltpu.sync_copy(zeros_hbm, acc_sh)

    plsc.subcore_barrier()

    def _start_in(bb, par):
        pltpu.async_copy(edge_hbm.at[pl.ds(ebase + bb * _BIGB, _BIGB)],
                         rows[par], dsems[par])

    def _wait_in(bb, par):
        pltpu.make_async_copy(edge_hbm.at[pl.ds(ebase + bb * _BIGB, _BIGB)],
                              rows[par], dsems[par]).wait()

    def _wait_scat(par, k):
        pltpu.make_async_copy(rows[par].at[pl.ds(k * _B, _B)],
                              acc_sh.at[gids[par][k]], ssems[par]).wait()

    _start_in(0, 0)

    @pl.loop(0, _NBIG + 1, step=2)
    def _round(bb0):
        for par in range(2):
            bb = bb0 + par
            other = 1 - par

            @pl.when(bb + 1 < _NBIG)
            def _pf():
                @pl.when(bb >= 1)
                def _dr():
                    for k in range(_SUBS):
                        _wait_scat(other, k)
                _start_in(bb + 1, other)

            @pl.when(bb < _NBIG)
            def _do():
                for k in range(_SUBS):
                    for j in range(_B // 16):
                        idx16 = ei_v[pl.ds(bb * _BIGB + k * _B + j * 16, 16)]
                        gids[par][k][pl.ds(j * 16, 16)] = \
                            plsc.load_gather(batch_v, [idx16])
                _wait_in(bb, par)
                for k in range(_SUBS):
                    pltpu.async_copy(rows[par].at[pl.ds(k * _B, _B)],
                                     acc_sh.at[gids[par][k]],
                                     ssems[par], add=True)

    for bb in (_NBIG - 2, _NBIG - 1):
        for k in range(_SUBS):
            _wait_scat(bb % 2, k)

    plsc.subcore_barrier()

    @pl.when(s == 0)
    def _flush():
        pltpu.sync_copy(acc_sh, out_hbm.at[c])


def _dense_body(p_ref, w1_ref, w2_ref, w3_ref, gamma_ref, beta_ref,
                mean_ref, var_ref, out_ref):
    g = p_ref[0] + p_ref[1]
    cdims = (((1,), (1,)), ((), ()))
    h = lax.dot_general(g, w1_ref[...], cdims,
                        preferred_element_type=jnp.float32)
    h = lax.dot_general(h, w2_ref[...], cdims,
                        preferred_element_type=jnp.float32)
    h = (h - mean_ref[...]) * lax.rsqrt(var_ref[...] + _EPS)
    h = h * gamma_ref[...] + beta_ref[...]
    h = jax.nn.gelu(h)
    out_ref[...] = lax.dot_general(h, w3_ref[...], cdims,
                                   preferred_element_type=jnp.float32)


def kernel(edge, batch, edge_index, W1, W2, W3, gamma, beta,
           running_mean, running_var):
    zeros = jnp.zeros((_NG, _H), jnp.float32)

    sc_call = pl.kernel(
        _sc_agg_body,
        out_type=jax.ShapeDtypeStruct((_NC, _NG, _H), jnp.float32),
        mesh=plsc.VectorSubcoreMesh(core_axis_name="c", subcore_axis_name="s"),
        scratch_types=(
            [pltpu.VMEM((_N,), jnp.int32),
             pltpu.VMEM((_EPW,), jnp.int32)]
            + [pltpu.VMEM((_BIGB, _H), jnp.float32)] * 2
            + [pltpu.VMEM((_B,), jnp.int32)] * (2 * _SUBS)
            + [pltpu.SemaphoreType.DMA] * 4
            + [pltpu.VMEM_SHARED((_NG, _H), jnp.float32)]
        ),
        compiler_params=pltpu.CompilerParams(needs_layout_passes=False),
    )
    partials = sc_call(edge, edge_index.reshape(-1), batch, zeros)

    out = pl.pallas_call(
        _dense_body,
        out_shape=jax.ShapeDtypeStruct((_NG, _H), jnp.float32),
    )(partials, W1, W2, W3,
      gamma.reshape(1, _H), beta.reshape(1, _H),
      running_mean.reshape(1, _H), running_var.reshape(1, _H))
    return out

# --- scband reference (transcript-rebuilt; emitter-appended) ---
"""Pipeline reference for scband-graph-agg-layer-77197742178845 (READ-ONLY COPY).

The authoritative reference and input builder live on the scoring server;
editing this copy changes nothing except your own understanding.
"""

import jax, jax.numpy as jnp
import numpy as np

E = 320000
N = 10000
H = 128   # hidden_channels
C = 128   # out_channels
D = 128   # out_dim
NG = 512  # number of graphs in the batch
EPS = 1e-5


def setup_inputs(seed: int = 0) -> dict:
    key = jax.random.key(seed)
    ks = jax.random.split(key, 8)
    edge = jax.random.normal(ks[0], (E, H), dtype=jnp.float32)
    batch = jnp.sort(jax.random.randint(ks[1], (N,), 0, NG, dtype=jnp.int32))
    edge_index = jax.random.randint(ks[2], (2, E), 0, N, dtype=jnp.int32)
    # learned parameters (torch Linear stores weight as [out, in]; y = x @ W.T)
    W1 = jax.random.normal(ks[3], (H, H), dtype=jnp.float32) * np.sqrt(2.0 / H)
    W2 = jax.random.normal(ks[4], (C, H), dtype=jnp.float32) * np.sqrt(2.0 / H)
    W3 = jax.random.normal(ks[5], (D, C), dtype=jnp.float32) * np.sqrt(1.0 / C)
    gamma = jnp.ones((C,), dtype=jnp.float32)
    beta = jnp.zeros((C,), dtype=jnp.float32)
    running_mean = jnp.zeros((C,), dtype=jnp.float32)
    running_var = jnp.ones((C,), dtype=jnp.float32)
    return {
        'edge': edge, 'batch': batch, 'edge_index': edge_index,
        'W1': W1, 'W2': W2, 'W3': W3,
        'gamma': gamma, 'beta': beta,
        'running_mean': running_mean, 'running_var': running_var,
    }


def reference(edge, batch, edge_index, W1, W2, W3, gamma, beta, running_mean, running_var):
    # edge_batch = batch[edge_index[0]] : gather graph-id per edge
    edge_batch = jnp.take(batch, edge_index[0], axis=0)
    # scatter(edge, edge_batch, dim=0, reduce='sum')
    g = jax.ops.segment_sum(edge, edge_batch, num_segments=NG)
    # graph_lin (no bias)
    g = g @ W1.T
    # graph_lin2 (no bias)
    g = g @ W2.T
    # BatchNorm1d in eval mode (running stats), then GELU
    g = (g - running_mean) / jnp.sqrt(running_var + EPS) * gamma + beta
    g = jax.nn.gelu(g)
    # dropout is identity in eval mode
    # lin (no bias)
    g = g @ W3.T
    return g

if __name__ == "__main__":
    import jax
    _d = setup_inputs()
    print(jax.jit(kernel)(*tuple(_d.values())))

</pallas_src>

<mosaic_0001>
#map = affine_map<(d0, d1) -> (0, 0)>
#map1 = affine_map<(d0, d1) -> (0)>
#map2 = affine_map<(d0, d1) -> (0, 0, 0)>
module attributes {stable_mosaic.version = 14 : i64} {
  func.func @_sc_agg_body(%arg0: i32, %arg1: i32, %arg2: memref<320000x128xf32, #tpu.memory_space<hbm>>, %arg3: memref<640000xi32, #tpu.memory_space<hbm>>, %arg4: memref<10000xi32, #tpu.memory_space<hbm>>, %arg5: memref<512x128xf32, #tpu.memory_space<hbm>>, %arg6: memref<2x512x128xf32, #tpu.memory_space<hbm>>, %arg7: memref<10000xi32, #tpu.memory_space<vmem>>, %arg8: memref<10000xi32, #tpu.memory_space<vmem>>, %arg9: memref<400x128xf32, #tpu.memory_space<vmem>>, %arg10: memref<400x128xf32, #tpu.memory_space<vmem>>, %arg11: memref<80xi32, #tpu.memory_space<vmem>>, %arg12: memref<80xi32, #tpu.memory_space<vmem>>, %arg13: memref<80xi32, #tpu.memory_space<vmem>>, %arg14: memref<80xi32, #tpu.memory_space<vmem>>, %arg15: memref<80xi32, #tpu.memory_space<vmem>>, %arg16: memref<80xi32, #tpu.memory_space<vmem>>, %arg17: memref<80xi32, #tpu.memory_space<vmem>>, %arg18: memref<80xi32, #tpu.memory_space<vmem>>, %arg19: memref<80xi32, #tpu.memory_space<vmem>>, %arg20: memref<80xi32, #tpu.memory_space<vmem>>, %arg21: memref<!tpu.dma_semaphore, #tpu.memory_space<semaphore_mem>>, %arg22: memref<!tpu.dma_semaphore, #tpu.memory_space<semaphore_mem>>, %arg23: memref<!tpu.dma_semaphore, #tpu.memory_space<semaphore_mem>>, %arg24: memref<!tpu.dma_semaphore, #tpu.memory_space<semaphore_mem>>, %arg25: memref<512x128xf32, #tpu.memory_space<vmem_shared>>) attributes {dimension_semantics = [#tpu.dimension_semantics<core_parallel>, #tpu.dimension_semantics<subcore_parallel>], iteration_bounds = array<i64: 2, 16>, scalar_prefetch = 0 : i64, scratch_operands = 19 : i64, tpu.core_type = #tpu.core_type<sc_vector_subcore>, window_params = [{transform_indices = #map}, {transform_indices = #map1}, {transform_indices = #map1}, {transform_indices = #map}, {transform_indices = #map2}]} {
    %mul3A = arith.constant 2 : i32
    %mul3A_0 = arith.muli %arg1, %mul3A : i32
    %add3A = arith.addi %mul3A_0, %arg0 : i32
    %mul3A_1 = arith.constant 10000 : i32
    %mul3A_2 = arith.muli %add3A, %mul3A_1 : i32
    "tpu.region"() ({
      %run_scoped3A = tpu.sem_alloc : memref<!tpu.dma_semaphore, #tpu.memory_space<semaphore_mem>>
      tpu.enqueue_dma source(%arg4 : memref<10000xi32, #tpu.memory_space<hbm>>) target(%arg7 : memref<10000xi32, #tpu.memory_space<vmem>>) target_semaphore(%run_scoped3A : memref<!tpu.dma_semaphore, #tpu.memory_space<semaphore_mem>>)
      tpu.wait_dma2 semaphore(%run_scoped3A : memref<!tpu.dma_semaphore, #tpu.memory_space<semaphore_mem>>) src(%arg4 : memref<10000xi32, #tpu.memory_space<hbm>>) dst(%arg7 : memref<10000xi32, #tpu.memory_space<vmem>>)
      tpu.yield
    }) : () -> ()
    "tpu.region"() ({
      %run_scoped3A = tpu.sem_alloc : memref<!tpu.dma_semaphore, #tpu.memory_space<semaphore_mem>>
      %dma_start3A_79 = tpu.memref_slice %arg3[%mul3A_2] : memref<640000xi32, #tpu.memory_space<hbm>> -> memref<10000xi32, #tpu.memory_space<hbm>>
      %dma_start3A_80 = tpu.memref_slice %arg3[%mul3A_2] : memref<640000xi32, #tpu.memory_space<hbm>> -> memref<10000xi32, #tpu.memory_space<hbm>>
      tpu.enqueue_dma source(%dma_start3A_80 : memref<10000xi32, #tpu.memory_space<hbm>>) target(%arg8 : memref<10000xi32, #tpu.memory_space<vmem>>) target_semaphore(%run_scoped3A : memref<!tpu.dma_semaphore, #tpu.memory_space<semaphore_mem>>)
      %dma_wait3A_81 = tpu.memref_slice %arg3[%mul3A_2] : memref<640000xi32, #tpu.memory_space<hbm>> -> memref<10000xi32, #tpu.memory_space<hbm>>
      %dma_wait3A_82 = tpu.memref_slice %arg3[%mul3A_2] : memref<640000xi32, #tpu.memory_space<hbm>> -> memref<10000xi32, #tpu.memory_space<hbm>>
      tpu.wait_dma2 semaphore(%run_scoped3A : memref<!tpu.dma_semaphore, #tpu.memory_space<semaphore_mem>>) src(%dma_wait3A_82 : memref<10000xi32, #tpu.memory_space<hbm>>) dst(%arg8 : memref<10000xi32, #tpu.memory_space<vmem>>)
      tpu.yield
    }) : () -> ()
    %eq3A = arith.constant 0 : i32
    %eq3A_3 = arith.cmpi eq, %arg1, %eq3A : i32
    %convert_element_type3A = arith.extui %eq3A_3 : i1 to i32
    %cond3A = arith.constant 0 : i32
    %cond3A_4 = arith.cmpi ne, %convert_element_type3A, %cond3A : i32
    scf.if %cond3A_4 {
      "tpu.region"() ({
        %run_scoped3A = tpu.sem_alloc : memref<!tpu.dma_semaphore, #tpu.memory_space<semaphore_mem>>
        tpu.enqueue_dma source(%arg5 : memref<512x128xf32, #tpu.memory_space<hbm>>) target(%arg25 : memref<512x128xf32, #tpu.memory_space<vmem_shared>>) target_semaphore(%run_scoped3A : memref<!tpu.dma_semaphore, #tpu.memory_space<semaphore_mem>>)
        tpu.wait_dma2 semaphore(%run_scoped3A : memref<!tpu.dma_semaphore, #tpu.memory_space<semaphore_mem>>) src(%arg5 : memref<512x128xf32, #tpu.memory_space<hbm>>) dst(%arg25 : memref<512x128xf32, #tpu.memory_space<vmem_shared>>)
        tpu.yield
      }) : () -> ()
    } else {
    }
    %barrier3A = arith.constant 0 : index
    tpu.barrier barrier_id(%barrier3A)
    %add3A_5 = arith.constant 0 : i32
    %add3A_6 = arith.addi %mul3A_2, %add3A_5 : i32
    %dma_start3A = arith.constant 0 : i32
    %dma_start3A_7 = tpu.memref_slice %arg2[%add3A_6, %dma_start3A] : memref<320000x128xf32, #tpu.memory_space<hbm>> -> memref<400x128xf32, #tpu.memory_space<hbm>>
    %dma_start3A_8 = arith.constant 0 : i32
    %dma_start3A_9 = tpu.memref_slice %arg2[%add3A_6, %dma_start3A_8] : memref<320000x128xf32, #tpu.memory_space<hbm>> -> memref<400x128xf32, #tpu.memory_space<hbm>>
    tpu.enqueue_dma source(%dma_start3A_9 : memref<400x128xf32, #tpu.memory_space<hbm>>) target(%arg9 : memref<400x128xf32, #tpu.memory_space<vmem>>) target_semaphore(%arg21 : memref<!tpu.dma_semaphore, #tpu.memory_space<semaphore_mem>>)
    %scan3A = arith.constant 0 : i32
    %scan3A_10 = arith.constant 13 : i32
    %scan3A_11 = arith.addi %scan3A, %scan3A_10 : i32
    %scan3A_12 = arith.constant 1 : i32
    scf.for %scan3A_79 = %scan3A to %scan3A_11 step %scan3A_12  : i32 {
      %mul3A_80 = arith.constant 2 : i32
      %mul3A_81 = arith.muli %scan3A_79, %mul3A_80 : i32
      %add3A_82 = arith.constant 0 : i32
      %add3A_83 = arith.addi %add3A_82, %mul3A_81 : i32
      %add3A_84 = arith.constant 0 : i32
      %add3A_85 = arith.addi %add3A_83, %add3A_84 : i32
      %add3A_86 = arith.constant 1 : i32
      %add3A_87 = arith.addi %add3A_85, %add3A_86 : i32
      %lt3A = arith.constant 25 : i32
      %lt3A_88 = arith.cmpi slt, %add3A_87, %lt3A : i32
      %convert_element_type3A_89 = arith.extui %lt3A_88 : i1 to i32
      %cond3A_90 = arith.constant 0 : i32
      %cond3A_91 = arith.cmpi ne, %convert_element_type3A_89, %cond3A_90 : i32
      scf.if %cond3A_91 {
        %ge3A = arith.constant 1 : i32
        %ge3A_111 = arith.cmpi sge, %add3A_85, %ge3A : i32
        %convert_element_type3A_112 = arith.extui %ge3A_111 : i1 to i32
        %cond3A_113 = arith.constant 0 : i32
        %cond3A_114 = arith.cmpi ne, %convert_element_type3A_112, %cond3A_113 : i32
        scf.if %cond3A_114 {
          %dma_wait3A_124 = arith.constant 0 : i32
          %dma_wait3A_125 = arith.constant 0 : i32
          %dma_wait3A_126 = tpu.memref_slice %arg10[%dma_wait3A_124, %dma_wait3A_125] : memref<400x128xf32, #tpu.memory_space<vmem>> -> memref<80x128xf32, #tpu.memory_space<vmem>>
          %dma_wait3A_127 = arith.constant 0 : i32
          %dma_wait3A_128 = arith.constant 0 : i32
          %dma_wait3A_129 = tpu.memref_slice %arg25[%dma_wait3A_127, %dma_wait3A_128] : memref<512x128xf32, #tpu.memory_space<vmem_shared>> -> memref<512x128xf32, #tpu.memory_space<vmem_shared>>
          tpu.wait_indirect_dma semaphore(%arg24 : memref<!tpu.dma_semaphore, #tpu.memory_space<semaphore_mem>>) src(%dma_wait3A_126 : memref<80x128xf32, #tpu.memory_space<vmem>>) dst(%dma_wait3A_129 : memref<512x128xf32, #tpu.memory_space<vmem_shared>>)
          %dma_wait3A_130 = arith.constant 80 : i32
          %dma_wait3A_131 = arith.constant 0 : i32
          %dma_wait3A_132 = tpu.memref_slice %arg10[%dma_wait3A_130, %dma_wait3A_131] : memref<400x128xf32, #tpu.memory_space<vmem>> -> memref<80x128xf32, #tpu.memory_space<vmem>>
          %dma_wait3A_133 = arith.constant 0 : i32
          %dma_wait3A_134 = arith.constant 0 : i32
          %dma_wait3A_135 = tpu.memref_slice %arg25[%dma_wait3A_133, %dma_wait3A_134] : memref<512x128xf32, #tpu.memory_space<vmem_shared>> -> memref<512x128xf32, #tpu.memory_space<vmem_shared>>
          tpu.wait_indirect_dma semaphore(%arg24 : memref<!tpu.dma_semaphore, #tpu.memory_space<semaphore_mem>>) src(%dma_wait3A_132 : memref<80x128xf32, #tpu.memory_space<vmem>>) dst(%dma_wait3A_135 : memref<512x128xf32, #tpu.memory_space<vmem_shared>>)
          %dma_wait3A_136 = arith.constant 160 : i32
          %dma_wait3A_137 = arith.constant 0 : i32
          %dma_wait3A_138 = tpu.memref_slice %arg10[%dma_wait3A_136, %dma_wait3A_137] : memref<400x128xf32, #tpu.memory_space<vmem>> -> memref<80x128xf32, #tpu.memory_space<vmem>>
          %dma_wait3A_139 = arith.constant 0 : i32
          %dma_wait3A_140 = arith.constant 0 : i32
          %dma_wait3A_141 = tpu.memref_slice %arg25[%dma_wait3A_139, %dma_wait3A_140] : memref<512x128xf32, #tpu.memory_space<vmem_shared>> -> memref<512x128xf32, #tpu.memory_space<vmem_shared>>
          tpu.wait_indirect_dma semaphore(%arg24 : memref<!tpu.dma_semaphore, #tpu.memory_space<semaphore_mem>>) src(%dma_wait3A_138 : memref<80x128xf32, #tpu.memory_space<vmem>>) dst(%dma_wait3A_141 : memref<512x128xf32, #tpu.memory_space<vmem_shared>>)
          %dma_wait3A_142 = arith.constant 240 : i32
          %dma_wait3A_143 = arith.constant 0 : i32
          %dma_wait3A_144 = tpu.memref_slice %arg10[%dma_wait3A_142, %dma_wait3A_143] : memref<400x128xf32, #tpu.memory_space<vmem>> -> memref<80x128xf32, #tpu.memory_space<vmem>>
          %dma_wait3A_145 = arith.constant 0 : i32
          %dma_wait3A_146 = arith.constant 0 : i32
          %dma_wait3A_147 = tpu.memref_slice %arg25[%dma_wait3A_145, %dma_wait3A_146] : memref<512x128xf32, #tpu.memory_space<vmem_shared>> -> memref<512x128xf32, #tpu.memory_space<vmem_shared>>
          tpu.wait_indirect_dma semaphore(%arg24 : memref<!tpu.dma_semaphore, #tpu.memory_space<semaphore_mem>>) src(%dma_wait3A_144 : memref<80x128xf32, #tpu.memory_space<vmem>>) dst(%dma_wait3A_147 : memref<512x128xf32, #tpu.memory_space<vmem_shared>>)
          %dma_wait3A_148 = arith.constant 320 : i32
          %dma_wait3A_149 = arith.constant 0 : i32
          %dma_wait3A_150 = tpu.memref_slice %arg10[%dma_wait3A_148, %dma_wait3A_149] : memref<400x128xf32, #tpu.memory_space<vmem>> -> memref<80x128xf32, #tpu.memory_space<vmem>>
          %dma_wait3A_151 = arith.constant 0 : i32
          %dma_wait3A_152 = arith.constant 0 : i32
          %dma_wait3A_153 = tpu.memref_slice %arg25[%dma_wait3A_151, %dma_wait3A_152] : memref<512x128xf32, #tpu.memory_space<vmem_shared>> -> memref<512x128xf32, #tpu.memory_space<vmem_shared>>
          tpu.wait_indirect_dma semaphore(%arg24 : memref<!tpu.dma_semaphore, #tpu.memory_space<semaphore_mem>>) src(%dma_wait3A_150 : memref<80x128xf32, #tpu.memory_space<vmem>>) dst(%dma_wait3A_153 : memref<512x128xf32, #tpu.memory_space<vmem_shared>>)
        } else {
        }
        %add3A_115 = arith.constant 1 : i32
        %add3A_116 = arith.addi %add3A_85, %add3A_115 : i32
        %mul3A_117 = arith.constant 400 : i32
        %mul3A_118 = arith.muli %add3A_116, %mul3A_117 : i32
        %add3A_119 = arith.addi %mul3A_2, %mul3A_118 : i32
        %dma_start3A_120 = arith.constant 0 : i32
        %dma_start3A_121 = tpu.memref_slice %arg2[%add3A_119, %dma_start3A_120] : memref<320000x128xf32, #tpu.memory_space<hbm>> -> memref<400x128xf32, #tpu.memory_space<hbm>>
        %dma_start3A_122 = arith.constant 0 : i32
        %dma_start3A_123 = tpu.memref_slice %arg2[%add3A_119, %dma_start3A_122] : memref<320000x128xf32, #tpu.memory_space<hbm>> -> memref<400x128xf32, #tpu.memory_space<hbm>>
        tpu.enqueue_dma source(%dma_start3A_123 : memref<400x128xf32, #tpu.memory_space<hbm>>) target(%arg10 : memref<400x128xf32, #tpu.memory_space<vmem>>) target_semaphore(%arg22 : memref<!tpu.dma_semaphore, #tpu.memory_space<semaphore_mem>>)
      } else {
      }
      %lt3A_92 = arith.constant 25 : i32
      %lt3A_93 = arith.cmpi slt, %add3A_85, %lt3A_92 : i32
      %convert_element_type3A_94 = arith.extui %lt3A_93 : i1 to i32
      %cond3A_95 = arith.constant 0 : i32
      %cond3A_96 = arith.cmpi ne, %convert_element_type3A_94, %cond3A_95 : i32
      scf.if %cond3A_96 {
        %mul3A_111 = arith.constant 400 : i32
        %mul3A_112 = arith.muli %add3A_85, %mul3A_111 : i32
        %add3A_113 = arith.constant 0 : i32
        %add3A_114 = arith.addi %mul3A_112, %add3A_113 : i32
        %add3A_115 = arith.constant 0 : i32
        %add3A_116 = arith.addi %add3A_114, %add3A_115 : i32
        %get3A = arith.index_cast %add3A_116 : i32 to index
        %get3A_117 = tpu.vector_load %arg8[%get3A] {strides = array<i32>} : memref<10000xi32, #tpu.memory_space<vmem>>, vector<16xi32>,
        %gather3A = tpu.vector_load_idx %arg7[%get3A_117] : memref<10000xi32, #tpu.memory_space<vmem>>[vector<16xi32>], vector<16xi32>,
        %swap3A = arith.constant 0 : index
        %swap3A_118 = tpu.vector_load %arg11[%swap3A] {strides = array<i32>} : memref<80xi32, #tpu.memory_space<vmem>>, vector<16xi32>,
        tpu.vector_store %arg11[%swap3A], %gather3A {strides = array<i32>} : memref<80xi32, #tpu.memory_space<vmem>>, vector<16xi32>,
        %mul3A_119 = arith.constant 400 : i32
        %mul3A_120 = arith.muli %add3A_85, %mul3A_119 : i32
        %add3A_121 = arith.constant 0 : i32
        %add3A_122 = arith.addi %mul3A_120, %add3A_121 : i32
        %add3A_123 = arith.constant 16 : i32
        %add3A_124 = arith.addi %add3A_122, %add3A_123 : i32
        %get3A_125 = arith.index_cast %add3A_124 : i32 to index
        %get3A_126 = tpu.vector_load %arg8[%get3A_125] {strides = array<i32>} : memref<10000xi32, #tpu.memory_space<vmem>>, vector<16xi32>,
        %gather3A_127 = tpu.vector_load_idx %arg7[%get3A_126] : memref<10000xi32, #tpu.memory_space<vmem>>[vector<16xi32>], vector<16xi32>,
        %swap3A_128 = arith.constant 16 : index
        %swap3A_129 = tpu.vector_load %arg11[%swap3A_128] {strides = array<i32>} : memref<80xi32, #tpu.memory_space<vmem>>, vector<16xi32>,
        tpu.vector_store %arg11[%swap3A_128], %gather3A_127 {strides = array<i32>} : memref<80xi32, #tpu.memory_space<vmem>>, vector<16xi32>,
        %mul3A_130 = arith.constant 400 : i32
        %mul3A_131 = arith.muli %add3A_85, %mul3A_130 : i32
        %add3A_132 = arith.constant 0 : i32
        %add3A_133 = arith.addi %mul3A_131, %add3A_132 : i32
        %add3A_134 = arith.constant 32 : i32
        %add3A_135 = arith.addi %add3A_133, %add3A_134 : i32
        %get3A_136 = arith.index_cast %add3A_135 : i32 to index
        %get3A_137 = tpu.vector_load %arg8[%get3A_136] {strides = array<i32>} : memref<10000xi32, #tpu.memory_space<vmem>>, vector<16xi32>,
        %gather3A_138 = tpu.vector_load_idx %arg7[%get3A_137] : memref<10000xi32, #tpu.memory_space<vmem>>[vector<16xi32>], vector<16xi32>,
        %swap3A_139 = arith.constant 32 : index
        %swap3A_140 = tpu.vector_load %arg11[%swap3A_139] {strides = array<i32>} : memref<80xi32, #tpu.memory_space<vmem>>, vector<16xi32>,
        tpu.vector_store %arg11[%swap3A_139], %gather3A_138 {strides = array<i32>} : memref<80xi32, #tpu.memory_space<vmem>>, vector<16xi32>,
        %mul3A_141 = arith.constant 400 : i32
        %mul3A_142 = arith.muli %add3A_85, %mul3A_141 : i32
        %add3A_143 = arith.constant 0 : i32
        %add3A_144 = arith.addi %mul3A_142, %add3A_143 : i32
        %add3A_145 = arith.constant 48 : i32
        %add3A_146 = arith.addi %add3A_144, %add3A_145 : i32
        %get3A_147 = arith.index_cast %add3A_146 : i32 to index
        %get3A_148 = tpu.vector_load %arg8[%get3A_147] {strides = array<i32>} : memref<10000xi32, #tpu.memory_space<vmem>>, vector<16xi32>,
        %gather3A_149 = tpu.vector_load_idx %arg7[%get3A_148] : memref<10000xi32, #tpu.memory_space<vmem>>[vector<16xi32>], vector<16xi32>,
        %swap3A_150 = arith.constant 48 : index
        %swap3A_151 = tpu.vector_load %arg11[%swap3A_150] {strides = array<i32>} : memref<80xi32, #tpu.memory_space<vmem>>, vector<16xi32>,
        tpu.vector_store %arg11[%swap3A_150], %gather3A_149 {strides = array<i32>} : memref<80xi32, #tpu.memory_space<vmem>>, vector<16xi32>,
        %mul3A_152 = arith.constant 400 : i32
        %mul3A_153 = arith.muli %add3A_85, %mul3A_152 : i32
        %add3A_154 = arith.constant 0 : i32
        %add3A_155 = arith.addi %mul3A_153, %add3A_154 : i32
        %add3A_156 = arith.constant 64 : i32
        %add3A_157 = arith.addi %add3A_155, %add3A_156 : i32
        %get3A_158 = arith.index_cast %add3A_157 : i32 to index
        %get3A_159 = tpu.vector_load %arg8[%get3A_158] {strides = array<i32>} : memref<10000xi32, #tpu.memory_space<vmem>>, vector<16xi32>,
        %gather3A_160 = tpu.vector_load_idx %arg7[%get3A_159] : memref<10000xi32, #tpu.memory_space<vmem>>[vector<16xi32>], vector<16xi32>,
        %swap3A_161 = arith.constant 64 : index
        %swap3A_162 = tpu.vector_load %arg11[%swap3A_161] {strides = array<i32>} : memref<80xi32, #tpu.memory_space<vmem>>, vector<16xi32>,
        tpu.vector_store %arg11[%swap3A_161], %gather3A_160 {strides = array<i32>} : memref<80xi32, #tpu.memory_space<vmem>>, vector<16xi32>,
        %mul3A_163 = arith.constant 400 : i32
        %mul3A_164 = arith.muli %add3A_85, %mul3A_163 : i32
        %add3A_165 = arith.constant 80 : i32
        %add3A_166 = arith.addi %mul3A_164, %add3A_165 : i32
        %add3A_167 = arith.constant 0 : i32
        %add3A_168 = arith.addi %add3A_166, %add3A_167 : i32
        %get3A_169 = arith.index_cast %add3A_168 : i32 to index
        %get3A_170 = tpu.vector_load %arg8[%get3A_169] {strides = array<i32>} : memref<10000xi32, #tpu.memory_space<vmem>>, vector<16xi32>,
        %gather3A_171 = tpu.vector_load_idx %arg7[%get3A_170] : memref<10000xi32, #tpu.memory_space<vmem>>[vector<16xi32>], vector<16xi32>,
        %swap3A_172 = arith.constant 0 : index
        %swap3A_173 = tpu.vector_load %arg12[%swap3A_172] {strides = array<i32>} : memref<80xi32, #tpu.memory_space<vmem>>, vector<16xi32>,
        tpu.vector_store %arg12[%swap3A_172], %gather3A_171 {strides = array<i32>} : memref<80xi32, #tpu.memory_space<vmem>>, vector<16xi32>,
        %mul3A_174 = arith.constant 400 : i32
        %mul3A_175 = arith.muli %add3A_85, %mul3A_174 : i32
        %add3A_176 = arith.constant 80 : i32
        %add3A_177 = arith.addi %mul3A_175, %add3A_176 : i32
        %add3A_178 = arith.constant 16 : i32
        %add3A_179 = arith.addi %add3A_177, %add3A_178 : i32
        %get3A_180 = arith.index_cast %add3A_179 : i32 to index
        %get3A_181 = tpu.vector_load %arg8[%get3A_180] {strides = array<i32>} : memref<10000xi32, #tpu.memory_space<vmem>>, vector<16xi32>,
        %gather3A_182 = tpu.vector_load_idx %arg7[%get3A_181] : memref<10000xi32, #tpu.memory_space<vmem>>[vector<16xi32>], vector<16xi32>,
        %swap3A_183 = arith.constant 16 : index
        %swap3A_184 = tpu.vector_load %arg12[%swap3A_183] {strides = array<i32>} : memref<80xi32, #tpu.memory_space<vmem>>, vector<16xi32>,
        tpu.vector_store %arg12[%swap3A_183], %gather3A_182 {strides = array<i32>} : memref<80xi32, #tpu.memory_space<vmem>>, vector<16xi32>,
        %mul3A_185 = arith.constant 400 : i32
        %mul3A_186 = arith.muli %add3A_85, %mul3A_185 : i32
        %add3A_187 = arith.constant 80 : i32
        %add3A_188 = arith.addi %mul3A_186, %add3A_187 : i32
        %add3A_189 = arith.constant 32 : i32
        %add3A_190 = arith.addi %add3A_188, %add3A_189 : i32
        %get3A_191 = arith.index_cast %add3A_190 : i32 to index
        %get3A_192 = tpu.vector_load %arg8[%get3A_191] {strides = array<i32>} : memref<10000xi32, #tpu.memory_space<vmem>>, vector<16xi32>,
        %gather3A_193 = tpu.vector_load_idx %arg7[%get3A_192] : memref<10000xi32, #tpu.memory_space<vmem>>[vector<16xi32>], vector<16xi32>,
        %swap3A_194 = arith.constant 32 : index
        %swap3A_195 = tpu.vector_load %arg12[%swap3A_194] {strides = array<i32>} : memref<80xi32, #tpu.memory_space<vmem>>, vector<16xi32>,
        tpu.vector_store %arg12[%swap3A_194], %gather3A_193 {strides = array<i32>} : memref<80xi32, #tpu.memory_space<vmem>>, vector<16xi32>,
        %mul3A_196 = arith.constant 400 : i32
        %mul3A_197 = arith.muli %add3A_85, %mul3A_196 : i32
        %add3A_198 = arith.constant 80 : i32
        %add3A_199 = arith.addi %mul3A_197, %add3A_198 : i32
        %add3A_200 = arith.constant 48 : i32
        %add3A_201 = arith.addi %add3A_199, %add3A_200 : i32
        %get3A_202 = arith.index_cast %add3A_201 : i32 to index
        %get3A_203 = tpu.vector_load %arg8[%get3A_202] {strides = array<i32>} : memref<10000xi32, #tpu.memory_space<vmem>>, vector<16xi32>,
        %gather3A_204 = tpu.vector_load_idx %arg7[%get3A_203] : memref<10000xi32, #tpu.memory_space<vmem>>[vector<16xi32>], vector<16xi32>,
        %swap3A_205 = arith.constant 48 : index
        %swap3A_206 = tpu.vector_load %arg12[%swap3A_205] {strides = array<i32>} : memref<80xi32, #tpu.memory_space<vmem>>, vector<16xi32>,
        tpu.vector_store %arg12[%swap3A_205], %gather3A_204 {strides = array<i32>} : memref<80xi32, #tpu.memory_space<vmem>>, vector<16xi32>,
        %mul3A_207 = arith.constant 400 : i32
        %mul3A_208 = arith.muli %add3A_85, %mul3A_207 : i32
        %add3A_209 = arith.constant 80 : i32
        %add3A_210 = arith.addi %mul3A_208, %add3A_209 : i32
        %add3A_211 = arith.constant 64 : i32
        %add3A_212 = arith.addi %add3A_210, %add3A_211 : i32
        %get3A_213 = arith.index_cast %add3A_212 : i32 to index
        %get3A_214 = tpu.vector_load %arg8[%get3A_213] {strides = array<i32>} : memref<10000xi32, #tpu.memory_space<vmem>>, vector<16xi32>,
        %gather3A_215 = tpu.vector_load_idx %arg7[%get3A_214] : memref<10000xi32, #tpu.memory_space<vmem>>[vector<16xi32>], vector<16xi32>,
        %swap3A_216 = arith.constant 64 : index
        %swap3A_217 = tpu.vector_load %arg12[%swap3A_216] {strides = array<i32>} : memref<80xi32, #tpu.memory_space<vmem>>, vector<16xi32>,
        tpu.vector_store %arg12[%swap3A_216], %gather3A_215 {strides = array<i32>} : memref<80xi32, #tpu.memory_space<vmem>>, vector<16xi32>,
        %mul3A_218 = arith.constant 400 : i32
        %mul3A_219 = arith.muli %add3A_85, %mul3A_218 : i32
        %add3A_220 = arith.constant 160 : i32
        %add3A_221 = arith.addi %mul3A_219, %add3A_220 : i32
        %add3A_222 = arith.constant 0 : i32
        %add3A_223 = arith.addi %add3A_221, %add3A_222 : i32
        %get3A_224 = arith.index_cast %add3A_223 : i32 to index
        %get3A_225 = tpu.vector_load %arg8[%get3A_224] {strides = array<i32>} : memref<10000xi32, #tpu.memory_space<vmem>>, vector<16xi32>,
        %gather3A_226 = tpu.vector_load_idx %arg7[%get3A_225] : memref<10000xi32, #tpu.memory_space<vmem>>[vector<16xi32>], vector<16xi32>,
        %swap3A_227 = arith.constant 0 : index
        %swap3A_228 = tpu.vector_load %arg13[%swap3A_227] {strides = array<i32>} : memref<80xi32, #tpu.memory_space<vmem>>, vector<16xi32>,
        tpu.vector_store %arg13[%swap3A_227], %gather3A_226 {strides = array<i32>} : memref<80xi32, #tpu.memory_space<vmem>>, vector<16xi32>,
        %mul3A_229 = arith.constant 400 : i32
        %mul3A_230 = arith.muli %add3A_85, %mul3A_229 : i32
        %add3A_231 = arith.constant 160 : i32
        %add3A_232 = arith.addi %mul3A_230, %add3A_231 : i32
        %add3A_233 = arith.constant 16 : i32
        %add3A_234 = arith.addi %add3A_232, %add3A_233 : i32
        %get3A_235 = arith.index_cast %add3A_234 : i32 to index
        %get3A_236 = tpu.vector_load %arg8[%get3A_235] {strides = array<i32>} : memref<10000xi32, #tpu.memory_space<vmem>>, vector<16xi32>,
        %gather3A_237 = tpu.vector_load_idx %arg7[%get3A_236] : memref<10000xi32, #tpu.memory_space<vmem>>[vector<16xi32>], vector<16xi32>,
        %swap3A_238 = arith.constant 16 : index
        %swap3A_239 = tpu.vector_load %arg13[%swap3A_238] {strides = array<i32>} : memref<80xi32, #tpu.memory_space<vmem>>, vector<16xi32>,
        tpu.vector_store %arg13[%swap3A_238], %gather3A_237 {strides = array<i32>} : memref<80xi32, #tpu.memory_space<vmem>>, vector<16xi32>,
        %mul3A_240 = arith.constant 400 : i32
        %mul3A_241 = arith.muli %add3A_85, %mul3A_240 : i32
        %add3A_242 = arith.constant 160 : i32
        %add3A_243 = arith.addi %mul3A_241, %add3A_242 : i32
        %add3A_244 = arith.constant 32 : i32
        %add3A_245 = arith.addi %add3A_243, %add3A_244 : i32
        %get3A_246 = arith.index_cast %add3A_245 : i32 to index
        %get3A_247 = tpu.vector_load %arg8[%get3A_246] {strides = array<i32>} : memref<10000xi32, #tpu.memory_space<vmem>>, vector<16xi32>,
        %gather3A_248 = tpu.vector_load_idx %arg7[%get3A_247] : memref<10000xi32, #tpu.memory_space<vmem>>[vector<16xi32>], vector<16xi32>,
        %swap3A_249 = arith.constant 32 : index
        %swap3A_250 = tpu.vector_load %arg13[%swap3A_249] {strides = array<i32>} : memref<80xi32, #tpu.memory_space<vmem>>, vector<16xi32>,
        tpu.vector_store %arg13[%swap3A_249], %gather3A_248 {strides = array<i32>} : memref<80xi32, #tpu.memory_space<vmem>>, vector<16xi32>,
        %mul3A_251 = arith.constant 400 : i32
        %mul3A_252 = arith.muli %add3A_85, %mul3A_251 : i32
        %add3A_253 = arith.constant 160 : i32
        %add3A_254 = arith.addi %mul3A_252, %add3A_253 : i32
        %add3A_255 = arith.constant 48 : i32
        %add3A_256 = arith.addi %add3A_254, %add3A_255 : i32
        %get3A_257 = arith.index_cast %add3A_256 : i32 to index
        %get3A_258 = tpu.vector_load %arg8[%get3A_257] {strides = array<i32>} : memref<10000xi32, #tpu.memory_space<vmem>>, vector<16xi32>,
        %gather3A_259 = tpu.vector_load_idx %arg7[%get3A_258] : memref<10000xi32, #tpu.memory_space<vmem>>[vector<16xi32>], vector<16xi32>,
        %swap3A_260 = arith.constant 48 : index
        %swap3A_261 = tpu.vector_load %arg13[%swap3A_260] {strides = array<i32>} : memref<80xi32, #tpu.memory_space<vmem>>, vector<16xi32>,
        tpu.vector_store %arg13[%swap3A_260], %gather3A_259 {strides = array<i32>} : memref<80xi32, #tpu.memory_space<vmem>>, vector<16xi32>,
        %mul3A_262 = arith.constant 400 : i32
        %mul3A_263 = arith.muli %add3A_85, %mul3A_262 : i32
        %add3A_264 = arith.constant 160 : i32
        %add3A_265 = arith.addi %mul3A_263, %add3A_264 : i32
        %add3A_266 = arith.constant 64 : i32
        %add3A_267 = arith.addi %add3A_265, %add3A_266 : i32
        %get3A_268 = arith.index_cast %add3A_267 : i32 to index
        %get3A_269 = tpu.vector_load %arg8[%get3A_268] {strides = array<i32>} : memref<10000xi32, #tpu.memory_space<vmem>>, vector<16xi32>,
        %gather3A_270 = tpu.vector_load_idx %arg7[%get3A_269] : memref<10000xi32, #tpu.memory_space<vmem>>[vector<16xi32>], vector<16xi32>,
        %swap3A_271 = arith.constant 64 : index
        %swap3A_272 = tpu.vector_load %arg13[%swap3A_271] {strides = array<i32>} : memref<80xi32, #tpu.memory_space<vmem>>, vector<16xi32>,
        tpu.vector_store %arg13[%swap3A_271], %gather3A_270 {strides = array<i32>} : memref<80xi32, #tpu.memory_space<vmem>>, vector<16xi32>,
        %mul3A_273 = arith.constant 400 : i32
        %mul3A_274 = arith.muli %add3A_85, %mul3A_273 : i32
        %add3A_275 = arith.constant 240 : i32
        %add3A_276 = arith.addi %mul3A_274, %add3A_275 : i32
        %add3A_277 = arith.constant 0 : i32
        %add3A_278 = arith.addi %add3A_276, %add3A_277 : i32
        %get3A_279 = arith.index_cast %add3A_278 : i32 to index
        %get3A_280 = tpu.vector_load %arg8[%get3A_279] {strides = array<i32>} : memref<10000xi32, #tpu.memory_space<vmem>>, vector<16xi32>,
        %gather3A_281 = tpu.vector_load_idx %arg7[%get3A_280] : memref<10000xi32, #tpu.memory_space<vmem>>[vector<16xi32>], vector<16xi32>,
        %swap3A_282 = arith.constant 0 : index
        %swap3A_283 = tpu.vector_load %arg14[%swap3A_282] {strides = array<i32>} : memref<80xi32, #tpu.memory_space<vmem>>, vector<16xi32>,
        tpu.vector_store %arg14[%swap3A_282], %gather3A_281 {strides = array<i32>} : memref<80xi32, #tpu.memory_space<vmem>>, vector<16xi32>,
        %mul3A_284 = arith.constant 400 : i32
        %mul3A_285 = arith.muli %add3A_85, %mul3A_284 : i32
        %add3A_286 = arith.constant 240 : i32
        %add3A_287 = arith.addi %mul3A_285, %add3A_286 : i32
        %add3A_288 = arith.constant 16 : i32
        %add3A_289 = arith.addi %add3A_287, %add3A_288 : i32
        %get3A_290 = arith.index_cast %add3A_289 : i32 to index
        %get3A_291 = tpu.vector_load %arg8[%get3A_290] {strides = array<i32>} : memref<10000xi32, #tpu.memory_space<vmem>>, vector<16xi32>,
        %gather3A_292 = tpu.vector_load_idx %arg7[%get3A_291] : memref<10000xi32, #tpu.memory_space<vmem>>[vector<16xi32>], vector<16xi32>,
        %swap3A_293 = arith.constant 16 : index
        %swap3A_294 = tpu.vector_load %arg14[%swap3A_293] {strides = array<i32>} : memref<80xi32, #tpu.memory_space<vmem>>, vector<16xi32>,
        tpu.vector_store %arg14[%swap3A_293], %gather3A_292 {strides = array<i32>} : memref<80xi32, #tpu.memory_space<vmem>>, vector<16xi32>,
        %mul3A_295 = arith.constant 400 : i32
        %mul3A_296 = arith.muli %add3A_85, %mul3A_295 : i32
        %add3A_297 = arith.constant 240 : i32
        %add3A_298 = arith.addi %mul3A_296, %add3A_297 : i32
        %add3A_299 = arith.constant 32 : i32
        %add3A_300 = arith.addi %add3A_298, %add3A_299 : i32
        %get3A_301 = arith.index_cast %add3A_300 : i32 to index
        %get3A_302 = tpu.vector_load %arg8[%get3A_301] {strides = array<i32>} : memref<10000xi32, #tpu.memory_space<vmem>>, vector<16xi32>,
        %gather3A_303 = tpu.vector_load_idx %arg7[%get3A_302] : memref<10000xi32, #tpu.memory_space<vmem>>[vector<16xi32>], vector<16xi32>,
        %swap3A_304 = arith.constant 32 : index
        %swap3A_305 = tpu.vector_load %arg14[%swap3A_304] {strides = array<i32>} : memref<80xi32, #tpu.memory_space<vmem>>, vector<16xi32>,
        tpu.vector_store %arg14[%swap3A_304], %gather3A_303 {strides = array<i32>} : memref<80xi32, #tpu.memory_space<vmem>>, vector<16xi32>,
        %mul3A_306 = arith.constant 400 : i32
        %mul3A_307 = arith.muli %add3A_85, %mul3A_306 : i32
        %add3A_308 = arith.constant 240 : i32
        %add3A_309 = arith.addi %mul3A_307, %add3A_308 : i32
        %add3A_310 = arith.constant 48 : i32
        %add3A_311 = arith.addi %add3A_309, %add3A_310 : i32
        %get3A_312 = arith.index_cast %add3A_311 : i32 to index
        %get3A_313 = tpu.vector_load %arg8[%get3A_312] {strides = array<i32>} : memref<10000xi32, #tpu.memory_space<vmem>>, vector<16xi32>,
        %gather3A_314 = tpu.vector_load_idx %arg7[%get3A_313] : memref<10000xi32, #tpu.memory_space<vmem>>[vector<16xi32>], vector<16xi32>,
        %swap3A_315 = arith.constant 48 : index
        %swap3A_316 = tpu.vector_load %arg14[%swap3A_315] {strides = array<i32>} : memref<80xi32, #tpu.memory_space<vmem>>, vector<16xi32>,
        tpu.vector_store %arg14[%swap3A_315], %gather3A_314 {strides = array<i32>} : memref<80xi32, #tpu.memory_space<vmem>>, vector<16xi32>,
        %mul3A_317 = arith.constant 400 : i32
        %mul3A_318 = arith.muli %add3A_85, %mul3A_317 : i32
        %add3A_319 = arith.constant 240 : i32
        %add3A_320 = arith.addi %mul3A_318, %add3A_319 : i32
        %add3A_321 = arith.constant 64 : i32
        %add3A_322 = arith.addi %add3A_320, %add3A_321 : i32
        %get3A_323 = arith.index_cast %add3A_322 : i32 to index
        %get3A_324 = tpu.vector_load %arg8[%get3A_323] {strides = array<i32>} : memref<10000xi32, #tpu.memory_space<vmem>>, vector<16xi32>,
        %gather3A_325 = tpu.vector_load_idx %arg7[%get3A_324] : memref<10000xi32, #tpu.memory_space<vmem>>[vector<16xi32>], vector<16xi32>,
        %swap3A_326 = arith.constant 64 : index
        %swap3A_327 = tpu.vector_load %arg14[%swap3A_326] {strides = array<i32>} : memref<80xi32, #tpu.memory_space<vmem>>, vector<16xi32>,
        tpu.vector_store %arg14[%swap3A_326], %gather3A_325 {strides = array<i32>} : memref<80xi32, #tpu.memory_space<vmem>>, vector<16xi32>,
        %mul3A_328 = arith.constant 400 : i32
        %mul3A_329 = arith.muli %add3A_85, %mul3A_328 : i32
        %add3A_330 = arith.constant 320 : i32
        %add3A_331 = arith.addi %mul3A_329, %add3A_330 : i32
        %add3A_332 = arith.constant 0 : i32
        %add3A_333 = arith.addi %add3A_331, %add3A_332 : i32
        %get3A_334 = arith.index_cast %add3A_333 : i32 to index
        %get3A_335 = tpu.vector_load %arg8[%get3A_334] {strides = array<i32>} : memref<10000xi32, #tpu.memory_space<vmem>>, vector<16xi32>,
        %gather3A_336 = tpu.vector_load_idx %arg7[%get3A_335] : memref<10000xi32, #tpu.memory_space<vmem>>[vector<16xi32>], vector<16xi32>,
        %swap3A_337 = arith.constant 0 : index
        %swap3A_338 = tpu.vector_load %arg15[%swap3A_337] {strides = array<i32>} : memref<80xi32, #tpu.memory_space<vmem>>, vector<16xi32>,
        tpu.vector_store %arg15[%swap3A_337], %gather3A_336 {strides = array<i32>} : memref<80xi32, #tpu.memory_space<vmem>>, vector<16xi32>,
        %mul3A_339 = arith.constant 400 : i32
        %mul3A_340 = arith.muli %add3A_85, %mul3A_339 : i32
        %add3A_341 = arith.constant 320 : i32
        %add3A_342 = arith.addi %mul3A_340, %add3A_341 : i32
        %add3A_343 = arith.constant 16 : i32
        %add3A_344 = arith.addi %add3A_342, %add3A_343 : i32
        %get3A_345 = arith.index_cast %add3A_344 : i32 to index
        %get3A_346 = tpu.vector_load %arg8[%get3A_345] {strides = array<i32>} : memref<10000xi32, #tpu.memory_space<vmem>>, vector<16xi32>,
        %gather3A_347 = tpu.vector_load_idx %arg7[%get3A_346] : memref<10000xi32, #tpu.memory_space<vmem>>[vector<16xi32>], vector<16xi32>,
        %swap3A_348 = arith.constant 16 : index
        %swap3A_349 = tpu.vector_load %arg15[%swap3A_348] {strides = array<i32>} : memref<80xi32, #tpu.memory_space<vmem>>, vector<16xi32>,
        tpu.vector_store %arg15[%swap3A_348], %gather3A_347 {strides = array<i32>} : memref<80xi32, #tpu.memory_space<vmem>>, vector<16xi32>,
        %mul3A_350 = arith.constant 400 : i32
        %mul3A_351 = arith.muli %add3A_85, %mul3A_350 : i32
        %add3A_352 = arith.constant 320 : i32
        %add3A_353 = arith.addi %mul3A_351, %add3A_352 : i32
        %add3A_354 = arith.constant 32 : i32
        %add3A_355 = arith.addi %add3A_353, %add3A_354 : i32
        %get3A_356 = arith.index_cast %add3A_355 : i32 to index
        %get3A_357 = tpu.vector_load %arg8[%get3A_356] {strides = array<i32>} : memref<10000xi32, #tpu.memory_space<vmem>>, vector<16xi32>,
        %gather3A_358 = tpu.vector_load_idx %arg7[%get3A_357] : memref<10000xi32, #tpu.memory_space<vmem>>[vector<16xi32>], vector<16xi32>,
        %swap3A_359 = arith.constant 32 : index
        %swap3A_360 = tpu.vector_load %arg15[%swap3A_359] {strides = array<i32>} : memref<80xi32, #tpu.memory_space<vmem>>, vector<16xi32>,
        tpu.vector_store %arg15[%swap3A_359], %gather3A_358 {strides = array<i32>} : memref<80xi32, #tpu.memory_space<vmem>>, vector<16xi32>,
        %mul3A_361 = arith.constant 400 : i32
        %mul3A_362 = arith.muli %add3A_85, %mul3A_361 : i32
        %add3A_363 = arith.constant 320 : i32
        %add3A_364 = arith.addi %mul3A_362, %add3A_363 : i32
        %add3A_365 = arith.constant 48 : i32
        %add3A_366 = arith.addi %add3A_364, %add3A_365 : i32
        %get3A_367 = arith.index_cast %add3A_366 : i32 to index
        %get3A_368 = tpu.vector_load %arg8[%get3A_367] {strides = array<i32>} : memref<10000xi32, #tpu.memory_space<vmem>>, vector<16xi32>,
        %gather3A_369 = tpu.vector_load_idx %arg7[%get3A_368] : memref<10000xi32, #tpu.memory_space<vmem>>[vector<16xi32>], vector<16xi32>,
        %swap3A_370 = arith.constant 48 : index
        %swap3A_371 = tpu.vector_load %arg15[%swap3A_370] {strides = array<i32>} : memref<80xi32, #tpu.memory_space<vmem>>, vector<16xi32>,
        tpu.vector_store %arg15[%swap3A_370], %gather3A_369 {strides = array<i32>} : memref<80xi32, #tpu.memory_space<vmem>>, vector<16xi32>,
        %mul3A_372 = arith.constant 400 : i32
        %mul3A_373 = arith.muli %add3A_85, %mul3A_372 : i32
        %add3A_374 = arith.constant 320 : i32
        %add3A_375 = arith.addi %mul3A_373, %add3A_374 : i32
        %add3A_376 = arith.constant 64 : i32
        %add3A_377 = arith.addi %add3A_375, %add3A_376 : i32
        %get3A_378 = arith.index_cast %add3A_377 : i32 to index
        %get3A_379 = tpu.vector_load %arg8[%get3A_378] {strides = array<i32>} : memref<10000xi32, #tpu.memory_space<vmem>>, vector<16xi32>,
        %gather3A_380 = tpu.vector_load_idx %arg7[%get3A_379] : memref<10000xi32, #tpu.memory_space<vmem>>[vector<16xi32>], vector<16xi32>,
        %swap3A_381 = arith.constant 64 : index
        %swap3A_382 = tpu.vector_load %arg15[%swap3A_381] {strides = array<i32>} : memref<80xi32, #tpu.memory_space<vmem>>, vector<16xi32>,
        tpu.vector_store %arg15[%swap3A_381], %gather3A_380 {strides = array<i32>} : memref<80xi32, #tpu.memory_space<vmem>>, vector<16xi32>,
        %mul3A_383 = arith.constant 400 : i32
        %mul3A_384 = arith.muli %add3A_85, %mul3A_383 : i32
        %add3A_385 = arith.addi %mul3A_2, %mul3A_384 : i32
        %dma_wait3A_386 = arith.constant 0 : i32
        %dma_wait3A_387 = tpu.memref_slice %arg2[%add3A_385, %dma_wait3A_386] : memref<320000x128xf32, #tpu.memory_space<hbm>> -> memref<400x128xf32, #tpu.memory_space<hbm>>
        %dma_wait3A_388 = arith.constant 0 : i32
        %dma_wait3A_389 = tpu.memref_slice %arg2[%add3A_385, %dma_wait3A_388] : memref<320000x128xf32, #tpu.memory_space<hbm>> -> memref<400x128xf32, #tpu.memory_space<hbm>>
        tpu.wait_dma2 semaphore(%arg21 : memref<!tpu.dma_semaphore, #tpu.memory_space<semaphore_mem>>) src(%dma_wait3A_389 : memref<400x128xf32, #tpu.memory_space<hbm>>) dst(%arg9 : memref<400x128xf32, #tpu.memory_space<vmem>>)
        %dma_start3A_390 = arith.constant 0 : i32
        %dma_start3A_391 = arith.constant 0 : i32
        %dma_start3A_392 = tpu.memref_slice %arg9[%dma_start3A_390, %dma_start3A_391] : memref<400x128xf32, #tpu.memory_space<vmem>> -> memref<80x128xf32, #tpu.memory_space<vmem>>
        %dma_start3A_393 = arith.constant 0 : i32
        %dma_start3A_394 = arith.constant 0 : i32
        %dma_start3A_395 = tpu.memref_slice %arg25[%dma_start3A_393, %dma_start3A_394] : memref<512x128xf32, #tpu.memory_space<vmem_shared>> -> memref<512x128xf32, #tpu.memory_space<vmem_shared>>
        tpu.enqueue_indirect_dma source(%dma_start3A_392 : memref<80x128xf32, #tpu.memory_space<vmem>>) target(%dma_start3A_395 : memref<512x128xf32, #tpu.memory_space<vmem_shared>>) offsets(%arg11 : memref<80xi32, #tpu.memory_space<vmem>>) semaphore(%arg23 : memref<!tpu.dma_semaphore, #tpu.memory_space<semaphore_mem>>) {add = true}
        %dma_start3A_396 = arith.constant 80 : i32
        %dma_start3A_397 = arith.constant 0 : i32
        %dma_start3A_398 = tpu.memref_slice %arg9[%dma_start3A_396, %dma_start3A_397] : memref<400x128xf32, #tpu.memory_space<vmem>> -> memref<80x128xf32, #tpu.memory_space<vmem>>
        %dma_start3A_399 = arith.constant 0 : i32
        %dma_start3A_400 = arith.constant 0 : i32
        %dma_start3A_401 = tpu.memref_slice %arg25[%dma_start3A_399, %dma_start3A_400] : memref<512x128xf32, #tpu.memory_space<vmem_shared>> -> memref<512x128xf32, #tpu.memory_space<vmem_shared>>
        tpu.enqueue_indirect_dma source(%dma_start3A_398 : memref<80x128xf32, #tpu.memory_space<vmem>>) target(%dma_start3A_401 : memref<512x128xf32, #tpu.memory_space<vmem_shared>>) offsets(%arg12 : memref<80xi32, #tpu.memory_space<vmem>>) semaphore(%arg23 : memref<!tpu.dma_semaphore, #tpu.memory_space<semaphore_mem>>) {add = true}
        %dma_start3A_402 = arith.constant 160 : i32
        %dma_start3A_403 = arith.constant 0 : i32
        %dma_start3A_404 = tpu.memref_slice %arg9[%dma_start3A_402, %dma_start3A_403] : memref<400x128xf32, #tpu.memory_space<vmem>> -> memref<80x128xf32, #tpu.memory_space<vmem>>
        %dma_start3A_405 = arith.constant 0 : i32
        %dma_start3A_406 = arith.constant 0 : i32
        %dma_start3A_407 = tpu.memref_slice %arg25[%dma_start3A_405, %dma_start3A_406] : memref<512x128xf32, #tpu.memory_space<vmem_shared>> -> memref<512x128xf32, #tpu.memory_space<vmem_shared>>
        tpu.enqueue_indirect_dma source(%dma_start3A_404 : memref<80x128xf32, #tpu.memory_space<vmem>>) target(%dma_start3A_407 : memref<512x128xf32, #tpu.memory_space<vmem_shared>>) offsets(%arg13 : memref<80xi32, #tpu.memory_space<vmem>>) semaphore(%arg23 : memref<!tpu.dma_semaphore, #tpu.memory_space<semaphore_mem>>) {add = true}
        %dma_start3A_408 = arith.constant 240 : i32
        %dma_start3A_409 = arith.constant 0 : i32
        %dma_start3A_410 = tpu.memref_slice %arg9[%dma_start3A_408, %dma_start3A_409] : memref<400x128xf32, #tpu.memory_space<vmem>> -> memref<80x128xf32, #tpu.memory_space<vmem>>
        %dma_start3A_411 = arith.constant 0 : i32
        %dma_start3A_412 = arith.constant 0 : i32
        %dma_start3A_413 = tpu.memref_slice %arg25[%dma_start3A_411, %dma_start3A_412] : memref<512x128xf32, #tpu.memory_space<vmem_shared>> -> memref<512x128xf32, #tpu.memory_space<vmem_shared>>
        tpu.enqueue_indirect_dma source(%dma_start3A_410 : memref<80x128xf32, #tpu.memory_space<vmem>>) target(%dma_start3A_413 : memref<512x128xf32, #tpu.memory_space<vmem_shared>>) offsets(%arg14 : memref<80xi32, #tpu.memory_space<vmem>>) semaphore(%arg23 : memref<!tpu.dma_semaphore, #tpu.memory_space<semaphore_mem>>) {add = true}
        %dma_start3A_414 = arith.constant 320 : i32
        %dma_start3A_415 = arith.constant 0 : i32
        %dma_start3A_416 = tpu.memref_slice %arg9[%dma_start3A_414, %dma_start3A_415] : memref<400x128xf32, #tpu.memory_space<vmem>> -> memref<80x128xf32, #tpu.memory_space<vmem>>
        %dma_start3A_417 = arith.constant 0 : i32
        %dma_start3A_418 = arith.constant 0 : i32
        %dma_start3A_419 = tpu.memref_slice %arg25[%dma_start3A_417, %dma_start3A_418] : memref<512x128xf32, #tpu.memory_space<vmem_shared>> -> memref<512x128xf32, #tpu.memory_space<vmem_shared>>
        tpu.enqueue_indirect_dma source(%dma_start3A_416 : memref<80x128xf32, #tpu.memory_space<vmem>>) target(%dma_start3A_419 : memref<512x128xf32, #tpu.memory_space<vmem_shared>>) offsets(%arg15 : memref<80xi32, #tpu.memory_space<vmem>>) semaphore(%arg23 : memref<!tpu.dma_semaphore, #tpu.memory_space<semaphore_mem>>) {add = true}
      } else {
      }
      %add3A_97 = arith.constant 1 : i32
      %add3A_98 = arith.addi %add3A_83, %add3A_97 : i32
      %add3A_99 = arith.constant 1 : i32
      %add3A_100 = arith.addi %add3A_98, %add3A_99 : i32
      %lt3A_101 = arith.constant 25 : i32
      %lt3A_102 = arith.cmpi slt, %add3A_100, %lt3A_101 : i32
      %convert_element_type3A_103 = arith.extui %lt3A_102 : i1 to i32
      %cond3A_104 = arith.constant 0 : i32
      %cond3A_105 = arith.cmpi ne, %convert_element_type3A_103, %cond3A_104 : i32
      scf.if %cond3A_105 {
        %ge3A = arith.constant 1 : i32
        %ge3A_111 = arith.cmpi sge, %add3A_98, %ge3A : i32
        %convert_element_type3A_112 = arith.extui %ge3A_111 : i1 to i32
        %cond3A_113 = arith.constant 0 : i32
        %cond3A_114 = arith.cmpi ne, %convert_element_type3A_112, %cond3A_113 : i32
        scf.if %cond3A_114 {
          %dma_wait3A_124 = arith.constant 0 : i32
          %dma_wait3A_125 = arith.constant 0 : i32
          %dma_wait3A_126 = tpu.memref_slice %arg9[%dma_wait3A_124, %dma_wait3A_125] : memref<400x128xf32, #tpu.memory_space<vmem>> -> memref<80x128xf32, #tpu.memory_space<vmem>>
          %dma_wait3A_127 = arith.constant 0 : i32
          %dma_wait3A_128 = arith.constant 0 : i32
          %dma_wait3A_129 = tpu.memref_slice %arg25[%dma_wait3A_127, %dma_wait3A_128] : memref<512x128xf32, #tpu.memory_space<vmem_shared>> -> memref<512x128xf32, #tpu.memory_space<vmem_shared>>
          tpu.wait_indirect_dma semaphore(%arg23 : memref<!tpu.dma_semaphore, #tpu.memory_space<semaphore_mem>>) src(%dma_wait3A_126 : memref<80x128xf32, #tpu.memory_space<vmem>>) dst(%dma_wait3A_129 : memref<512x128xf32, #tpu.memory_space<vmem_shared>>)
          %dma_wait3A_130 = arith.constant 80 : i32
          %dma_wait3A_131 = arith.constant 0 : i32
          %dma_wait3A_132 = tpu.memref_slice %arg9[%dma_wait3A_130, %dma_wait3A_131] : memref<400x128xf32, #tpu.memory_space<vmem>> -> memref<80x128xf32, #tpu.memory_space<vmem>>
          %dma_wait3A_133 = arith.constant 0 : i32
          %dma_wait3A_134 = arith.constant 0 : i32
          %dma_wait3A_135 = tpu.memref_slice %arg25[%dma_wait3A_133, %dma_wait3A_134] : memref<512x128xf32, #tpu.memory_space<vmem_shared>> -> memref<512x128xf32, #tpu.memory_space<vmem_shared>>
          tpu.wait_indirect_dma semaphore(%arg23 : memref<!tpu.dma_semaphore, #tpu.memory_space<semaphore_mem>>) src(%dma_wait3A_132 : memref<80x128xf32, #tpu.memory_space<vmem>>) dst(%dma_wait3A_135 : memref<512x128xf32, #tpu.memory_space<vmem_shared>>)
          %dma_wait3A_136 = arith.constant 160 : i32
          %dma_wait3A_137 = arith.constant 0 : i32
          %dma_wait3A_138 = tpu.memref_slice %arg9[%dma_wait3A_136, %dma_wait3A_137] : memref<400x128xf32, #tpu.memory_space<vmem>> -> memref<80x128xf32, #tpu.memory_space<vmem>>
          %dma_wait3A_139 = arith.constant 0 : i32
          %dma_wait3A_140 = arith.constant 0 : i32
          %dma_wait3A_141 = tpu.memref_slice %arg25[%dma_wait3A_139, %dma_wait3A_140] : memref<512x128xf32, #tpu.memory_space<vmem_shared>> -> memref<512x128xf32, #tpu.memory_space<vmem_shared>>
          tpu.wait_indirect_dma semaphore(%arg23 : memref<!tpu.dma_semaphore, #tpu.memory_space<semaphore_mem>>) src(%dma_wait3A_138 : memref<80x128xf32, #tpu.memory_space<vmem>>) dst(%dma_wait3A_141 : memref<512x128xf32, #tpu.memory_space<vmem_shared>>)
          %dma_wait3A_142 = arith.constant 240 : i32
          %dma_wait3A_143 = arith.constant 0 : i32
          %dma_wait3A_144 = tpu.memref_slice %arg9[%dma_wait3A_142, %dma_wait3A_143] : memref<400x128xf32, #tpu.memory_space<vmem>> -> memref<80x128xf32, #tpu.memory_space<vmem>>
          %dma_wait3A_145 = arith.constant 0 : i32
          %dma_wait3A_146 = arith.constant 0 : i32
          %dma_wait3A_147 = tpu.memref_slice %arg25[%dma_wait3A_145, %dma_wait3A_146] : memref<512x128xf32, #tpu.memory_space<vmem_shared>> -> memref<512x128xf32, #tpu.memory_space<vmem_shared>>
          tpu.wait_indirect_dma semaphore(%arg23 : memref<!tpu.dma_semaphore, #tpu.memory_space<semaphore_mem>>) src(%dma_wait3A_144 : memref<80x128xf32, #tpu.memory_space<vmem>>) dst(%dma_wait3A_147 : memref<512x128xf32, #tpu.memory_space<vmem_shared>>)
          %dma_wait3A_148 = arith.constant 320 : i32
          %dma_wait3A_149 = arith.constant 0 : i32
          %dma_wait3A_150 = tpu.memref_slice %arg9[%dma_wait3A_148, %dma_wait3A_149] : memref<400x128xf32, #tpu.memory_space<vmem>> -> memref<80x128xf32, #tpu.memory_space<vmem>>
          %dma_wait3A_151 = arith.constant 0 : i32
          %dma_wait3A_152 = arith.constant 0 : i32
          %dma_wait3A_153 = tpu.memref_slice %arg25[%dma_wait3A_151, %dma_wait3A_152] : memref<512x128xf32, #tpu.memory_space<vmem_shared>> -> memref<512x128xf32, #tpu.memory_space<vmem_shared>>
          tpu.wait_indirect_dma semaphore(%arg23 : memref<!tpu.dma_semaphore, #tpu.memory_space<semaphore_mem>>) src(%dma_wait3A_150 : memref<80x128xf32, #tpu.memory_space<vmem>>) dst(%dma_wait3A_153 : memref<512x128xf32, #tpu.memory_space<vmem_shared>>)
        } else {
        }
        %add3A_115 = arith.constant 1 : i32
        %add3A_116 = arith.addi %add3A_98, %add3A_115 : i32
        %mul3A_117 = arith.constant 400 : i32
        %mul3A_118 = arith.muli %add3A_116, %mul3A_117 : i32
        %add3A_119 = arith.addi %mul3A_2, %mul3A_118 : i32
        %dma_start3A_120 = arith.constant 0 : i32
        %dma_start3A_121 = tpu.memref_slice %arg2[%add3A_119, %dma_start3A_120] : memref<320000x128xf32, #tpu.memory_space<hbm>> -> memref<400x128xf32, #tpu.memory_space<hbm>>
        %dma_start3A_122 = arith.constant 0 : i32
        %dma_start3A_123 = tpu.memref_slice %arg2[%add3A_119, %dma_start3A_122] : memref<320000x128xf32, #tpu.memory_space<hbm>> -> memref<400x128xf32, #tpu.memory_space<hbm>>
        tpu.enqueue_dma source(%dma_start3A_123 : memref<400x128xf32, #tpu.memory_space<hbm>>) target(%arg9 : memref<400x128xf32, #tpu.memory_space<vmem>>) target_semaphore(%arg21 : memref<!tpu.dma_semaphore, #tpu.memory_space<semaphore_mem>>)
      } else {
      }
      %lt3A_106 = arith.constant 25 : i32
      %lt3A_107 = arith.cmpi slt, %add3A_98, %lt3A_106 : i32
      %convert_element_type3A_108 = arith.extui %lt3A_107 : i1 to i32
      %cond3A_109 = arith.constant 0 : i32
      %cond3A_110 = arith.cmpi ne, %convert_element_type3A_108, %cond3A_109 : i32
      scf.if %cond3A_110 {
        %mul3A_111 = arith.constant 400 : i32
        %mul3A_112 = arith.muli %add3A_98, %mul3A_111 : i32
        %add3A_113 = arith.constant 0 : i32
        %add3A_114 = arith.addi %mul3A_112, %add3A_113 : i32
        %add3A_115 = arith.constant 0 : i32
        %add3A_116 = arith.addi %add3A_114, %add3A_115 : i32
        %get3A = arith.index_cast %add3A_116 : i32 to index
        %get3A_117 = tpu.vector_load %arg8[%get3A] {strides = array<i32>} : memref<10000xi32, #tpu.memory_space<vmem>>, vector<16xi32>,
        %gather3A = tpu.vector_load_idx %arg7[%get3A_117] : memref<10000xi32, #tpu.memory_space<vmem>>[vector<16xi32>], vector<16xi32>,
        %swap3A = arith.constant 0 : index
        %swap3A_118 = tpu.vector_load %arg16[%swap3A] {strides = array<i32>} : memref<80xi32, #tpu.memory_space<vmem>>, vector<16xi32>,
        tpu.vector_store %arg16[%swap3A], %gather3A {strides = array<i32>} : memref<80xi32, #tpu.memory_space<vmem>>, vector<16xi32>,
        %mul3A_119 = arith.constant 400 : i32
        %mul3A_120 = arith.muli %add3A_98, %mul3A_119 : i32
        %add3A_121 = arith.constant 0 : i32
        %add3A_122 = arith.addi %mul3A_120, %add3A_121 : i32
        %add3A_123 = arith.constant 16 : i32
        %add3A_124 = arith.addi %add3A_122, %add3A_123 : i32
        %get3A_125 = arith.index_cast %add3A_124 : i32 to index
        %get3A_126 = tpu.vector_load %arg8[%get3A_125] {strides = array<i32>} : memref<10000xi32, #tpu.memory_space<vmem>>, vector<16xi32>,
        %gather3A_127 = tpu.vector_load_idx %arg7[%get3A_126] : memref<10000xi32, #tpu.memory_space<vmem>>[vector<16xi32>], vector<16xi32>,
        %swap3A_128 = arith.constant 16 : index
        %swap3A_129 = tpu.vector_load %arg16[%swap3A_128] {strides = array<i32>} : memref<80xi32, #tpu.memory_space<vmem>>, vector<16xi32>,
        tpu.vector_store %arg16[%swap3A_128], %gather3A_127 {strides = array<i32>} : memref<80xi32, #tpu.memory_space<vmem>>, vector<16xi32>,
        %mul3A_130 = arith.constant 400 : i32
        %mul3A_131 = arith.muli %add3A_98, %mul3A_130 : i32
        %add3A_132 = arith.constant 0 : i32
        %add3A_133 = arith.addi %mul3A_131, %add3A_132 : i32
        %add3A_134 = arith.constant 32 : i32
        %add3A_135 = arith.addi %add3A_133, %add3A_134 : i32
        %get3A_136 = arith.index_cast %add3A_135 : i32 to index
        %get3A_137 = tpu.vector_load %arg8[%get3A_136] {strides = array<i32>} : memref<10000xi32, #tpu.memory_space<vmem>>, vector<16xi32>,
        %gather3A_138 = tpu.vector_load_idx %arg7[%get3A_137] : memref<10000xi32, #tpu.memory_space<vmem>>[vector<16xi32>], vector<16xi32>,
        %swap3A_139 = arith.constant 32 : index
        %swap3A_140 = tpu.vector_load %arg16[%swap3A_139] {strides = array<i32>} : memref<80xi32, #tpu.memory_space<vmem>>, vector<16xi32>,
        tpu.vector_store %arg16[%swap3A_139], %gather3A_138 {strides = array<i32>} : memref<80xi32, #tpu.memory_space<vmem>>, vector<16xi32>,
        %mul3A_141 = arith.constant 400 : i32
        %mul3A_142 = arith.muli %add3A_98, %mul3A_141 : i32
        %add3A_143 = arith.constant 0 : i32
        %add3A_144 = arith.addi %mul3A_142, %add3A_143 : i32
        %add3A_145 = arith.constant 48 : i32
        %add3A_146 = arith.addi %add3A_144, %add3A_145 : i32
        %get3A_147 = arith.index_cast %add3A_146 : i32 to index
        %get3A_148 = tpu.vector_load %arg8[%get3A_147] {strides = array<i32>} : memref<10000xi32, #tpu.memory_space<vmem>>, vector<16xi32>,
        %gather3A_149 = tpu.vector_load_idx %arg7[%get3A_148] : memref<10000xi32, #tpu.memory_space<vmem>>[vector<16xi32>], vector<16xi32>,
        %swap3A_150 = arith.constant 48 : index
        %swap3A_151 = tpu.vector_load %arg16[%swap3A_150] {strides = array<i32>} : memref<80xi32, #tpu.memory_space<vmem>>, vector<16xi32>,
        tpu.vector_store %arg16[%swap3A_150], %gather3A_149 {strides = array<i32>} : memref<80xi32, #tpu.memory_space<vmem>>, vector<16xi32>,
        %mul3A_152 = arith.constant 400 : i32
        %mul3A_153 = arith.muli %add3A_98, %mul3A_152 : i32
        %add3A_154 = arith.constant 0 : i32
        %add3A_155 = arith.addi %mul3A_153, %add3A_154 : i32
        %add3A_156 = arith.constant 64 : i32
        %add3A_157 = arith.addi %add3A_155, %add3A_156 : i32
        %get3A_158 = arith.index_cast %add3A_157 : i32 to index
        %get3A_159 = tpu.vector_load %arg8[%get3A_158] {strides = array<i32>} : memref<10000xi32, #tpu.memory_space<vmem>>, vector<16xi32>,
        %gather3A_160 = tpu.vector_load_idx %arg7[%get3A_159] : memref<10000xi32, #tpu.memory_space<vmem>>[vector<16xi32>], vector<16xi32>,
        %swap3A_161 = arith.constant 64 : index
        %swap3A_162 = tpu.vector_load %arg16[%swap3A_161] {strides = array<i32>} : memref<80xi32, #tpu.memory_space<vmem>>, vector<16xi32>,
        tpu.vector_store %arg16[%swap3A_161], %gather3A_160 {strides = array<i32>} : memref<80xi32, #tpu.memory_space<vmem>>, vector<16xi32>,
        %mul3A_163 = arith.constant 400 : i32
        %mul3A_164 = arith.muli %add3A_98, %mul3A_163 : i32
        %add3A_165 = arith.constant 80 : i32
        %add3A_166 = arith.addi %mul3A_164, %add3A_165 : i32
        %add3A_167 = arith.constant 0 : i32
        %add3A_168 = arith.addi %add3A_166, %add3A_167 : i32
        %get3A_169 = arith.index_cast %add3A_168 : i32 to index
        %get3A_170 = tpu.vector_load %arg8[%get3A_169] {strides = array<i32>} : memref<10000xi32, #tpu.memory_space<vmem>>, vector<16xi32>,
        %gather3A_171 = tpu.vector_load_idx %arg7[%get3A_170] : memref<10000xi32, #tpu.memory_space<vmem>>[vector<16xi32>], vector<16xi32>,
        %swap3A_172 = arith.constant 0 : index
        %swap3A_173 = tpu.vector_load %arg17[%swap3A_172] {strides = array<i32>} : memref<80xi32, #tpu.memory_space<vmem>>, vector<16xi32>,
        tpu.vector_store %arg17[%swap3A_172], %gather3A_171 {strides = array<i32>} : memref<80xi32, #tpu.memory_space<vmem>>, vector<16xi32>,
        %mul3A_174 = arith.constant 400 : i32
        %mul3A_175 = arith.muli %add3A_98, %mul3A_174 : i32
        %add3A_176 = arith.constant 80 : i32
        %add3A_177 = arith.addi %mul3A_175, %add3A_176 : i32
        %add3A_178 = arith.constant 16 : i32
        %add3A_179 = arith.addi %add3A_177, %add3A_178 : i32
        %get3A_180 = arith.index_cast %add3A_179 : i32 to index
        %get3A_181 = tpu.vector_load %arg8[%get3A_180] {strides = array<i32>} : memref<10000xi32, #tpu.memory_space<vmem>>, vector<16xi32>,
        %gather3A_182 = tpu.vector_load_idx %arg7[%get3A_181] : memref<10000xi32, #tpu.memory_space<vmem>>[vector<16xi32>], vector<16xi32>,
        %swap3A_183 = arith.constant 16 : index
        %swap3A_184 = tpu.vector_load %arg17[%swap3A_183] {strides = array<i32>} : memref<80xi32, #tpu.memory_space<vmem>>, vector<16xi32>,
        tpu.vector_store %arg17[%swap3A_183], %gather3A_182 {strides = array<i32>} : memref<80xi32, #tpu.memory_space<vmem>>, vector<16xi32>,
        %mul3A_185 = arith.constant 400 : i32
        %mul3A_186 = arith.muli %add3A_98, %mul3A_185 : i32
        %add3A_187 = arith.constant 80 : i32
        %add3A_188 = arith.addi %mul3A_186, %add3A_187 : i32
        %add3A_189 = arith.constant 32 : i32
        %add3A_190 = arith.addi %add3A_188, %add3A_189 : i32
        %get3A_191 = arith.index_cast %add3A_190 : i32 to index
        %get3A_192 = tpu.vector_load %arg8[%get3A_191] {strides = array<i32>} : memref<10000xi32, #tpu.memory_space<vmem>>, vector<16xi32>,
        %gather3A_193 = tpu.vector_load_idx %arg7[%get3A_192] : memref<10000xi32, #tpu.memory_space<vmem>>[vector<16xi32>], vector<16xi32>,
        %swap3A_194 = arith.constant 32 : index
        %swap3A_195 = tpu.vector_load %arg17[%swap3A_194] {strides = array<i32>} : memref<80xi32, #tpu.memory_space<vmem>>, vector<16xi32>,
        tpu.vector_store %arg17[%swap3A_194], %gather3A_193 {strides = array<i32>} : memref<80xi32, #tpu.memory_space<vmem>>, vector<16xi32>,
        %mul3A_196 = arith.constant 400 : i32
        %mul3A_197 = arith.muli %add3A_98, %mul3A_196 : i32
        %add3A_198 = arith.constant 80 : i32
        %add3A_199 = arith.addi %mul3A_197, %add3A_198 : i32
        %add3A_200 = arith.constant 48 : i32
        %add3A_201 = arith.addi %add3A_199, %add3A_200 : i32
        %get3A_202 = arith.index_cast %add3A_201 : i32 to index
        %get3A_203 = tpu.vector_load %arg8[%get3A_202] {strides = array<i32>} : memref<10000xi32, #tpu.memory_space<vmem>>, vector<16xi32>,
        %gather3A_204 = tpu.vector_load_idx %arg7[%get3A_203] : memref<10000xi32, #tpu.memory_space<vmem>>[vector<16xi32>], vector<16xi32>,
        %swap3A_205 = arith.constant 48 : index
        %swap3A_206 = tpu.vector_load %arg17[%swap3A_205] {strides = array<i32>} : memref<80xi32, #tpu.memory_space<vmem>>, vector<16xi32>,
        tpu.vector_store %arg17[%swap3A_205], %gather3A_204 {strides = array<i32>} : memref<80xi32, #tpu.memory_space<vmem>>, vector<16xi32>,
        %mul3A_207 = arith.constant 400 : i32
        %mul3A_208 = arith.muli %add3A_98, %mul3A_207 : i32
        %add3A_209 = arith.constant 80 : i32
        %add3A_210 = arith.addi %mul3A_208, %add3A_209 : i32
        %add3A_211 = arith.constant 64 : i32
        %add3A_212 = arith.addi %add3A_210, %add3A_211 : i32
        %get3A_213 = arith.index_cast %add3A_212 : i32 to index
        %get3A_214 = tpu.vector_load %arg8[%get3A_213] {strides = array<i32>} : memref<10000xi32, #tpu.memory_space<vmem>>, vector<16xi32>,
        %gather3A_215 = tpu.vector_load_idx %arg7[%get3A_214] : memref<10000xi32, #tpu.memory_space<vmem>>[vector<16xi32>], vector<16xi32>,
        %swap3A_216 = arith.constant 64 : index
        %swap3A_217 = tpu.vector_load %arg17[%swap3A_216] {strides = array<i32>} : memref<80xi32, #tpu.memory_space<vmem>>, vector<16xi32>,
        tpu.vector_store %arg17[%swap3A_216], %gather3A_215 {strides = array<i32>} : memref<80xi32, #tpu.memory_space<vmem>>, vector<16xi32>,
        %mul3A_218 = arith.constant 400 : i32
        %mul3A_219 = arith.muli %add3A_98, %mul3A_218 : i32
        %add3A_220 = arith.constant 160 : i32
        %add3A_221 = arith.addi %mul3A_219, %add3A_220 : i32
        %add3A_222 = arith.constant 0 : i32
        %add3A_223 = arith.addi %add3A_221, %add3A_222 : i32
        %get3A_224 = arith.index_cast %add3A_223 : i32 to index
        %get3A_225 = tpu.vector_load %arg8[%get3A_224] {strides = array<i32>} : memref<10000xi32, #tpu.memory_space<vmem>>, vector<16xi32>,
        %gather3A_226 = tpu.vector_load_idx %arg7[%get3A_225] : memref<10000xi32, #tpu.memory_space<vmem>>[vector<16xi32>], vector<16xi32>,
        %swap3A_227 = arith.constant 0 : index
        %swap3A_228 = tpu.vector_load %arg18[%swap3A_227] {strides = array<i32>} : memref<80xi32, #tpu.memory_space<vmem>>, vector<16xi32>,
        tpu.vector_store %arg18[%swap3A_227], %gather3A_226 {strides = array<i32>} : memref<80xi32, #tpu.memory_space<vmem>>, vector<16xi32>,
        %mul3A_229 = arith.constant 400 : i32
        %mul3A_230 = arith.muli %add3A_98, %mul3A_229 : i32
        %add3A_231 = arith.constant 160 : i32
        %add3A_232 = arith.addi %mul3A_230, %add3A_231 : i32
        %add3A_233 = arith.constant 16 : i32
        %add3A_234 = arith.addi %add3A_232, %add3A_233 : i32
        %get3A_235 = arith.index_cast %add3A_234 : i32 to index
        %get3A_236 = tpu.vector_load %arg8[%get3A_235] {strides = array<i32>} : memref<10000xi32, #tpu.memory_space<vmem>>, vector<16xi32>,
        %gather3A_237 = tpu.vector_load_idx %arg7[%get3A_236] : memref<10000xi32, #tpu.memory_space<vmem>>[vector<16xi32>], vector<16xi32>,
        %swap3A_238 = arith.constant 16 : index
        %swap3A_239 = tpu.vector_load %arg18[%swap3A_238] {strides = array<i32>} : memref<80xi32, #tpu.memory_space<vmem>>, vector<16xi32>,
        tpu.vector_store %arg18[%swap3A_238], %gather3A_237 {strides = array<i32>} : memref<80xi32, #tpu.memory_space<vmem>>, vector<16xi32>,
        %mul3A_240 = arith.constant 400 : i32
        %mul3A_241 = arith.muli %add3A_98, %mul3A_240 : i32
        %add3A_242 = arith.constant 160 : i32
        %add3A_243 = arith.addi %mul3A_241, %add3A_242 : i32
        %add3A_244 = arith.constant 32 : i32
        %add3A_245 = arith.addi %add3A_243, %add3A_244 : i32
        %get3A_246 = arith.index_cast %add3A_245 : i32 to index
        %get3A_247 = tpu.vector_load %arg8[%get3A_246] {strides = array<i32>} : memref<10000xi32, #tpu.memory_space<vmem>>, vector<16xi32>,
        %gather3A_248 = tpu.vector_load_idx %arg7[%get3A_247] : memref<10000xi32, #tpu.memory_space<vmem>>[vector<16xi32>], vector<16xi32>,
        %swap3A_249 = arith.constant 32 : index
        %swap3A_250 = tpu.vector_load %arg18[%swap3A_249] {strides = array<i32>} : memref<80xi32, #tpu.memory_space<vmem>>, vector<16xi32>,
        tpu.vector_store %arg18[%swap3A_249], %gather3A_248 {strides = array<i32>} : memref<80xi32, #tpu.memory_space<vmem>>, vector<16xi32>,
        %mul3A_251 = arith.constant 400 : i32
        %mul3A_252 = arith.muli %add3A_98, %mul3A_251 : i32
        %add3A_253 = arith.constant 160 : i32
        %add3A_254 = arith.addi %mul3A_252, %add3A_253 : i32
        %add3A_255 = arith.constant 48 : i32
        %add3A_256 = arith.addi %add3A_254, %add3A_255 : i32
        %get3A_257 = arith.index_cast %add3A_256 : i32 to index
        %get3A_258 = tpu.vector_load %arg8[%get3A_257] {strides = array<i32>} : memref<10000xi32, #tpu.memory_space<vmem>>, vector<16xi32>,
        %gather3A_259 = tpu.vector_load_idx %arg7[%get3A_258] : memref<10000xi32, #tpu.memory_space<vmem>>[vector<16xi32>], vector<16xi32>,
        %swap3A_260 = arith.constant 48 : index
        %swap3A_261 = tpu.vector_load %arg18[%swap3A_260] {strides = array<i32>} : memref<80xi32, #tpu.memory_space<vmem>>, vector<16xi32>,
        tpu.vector_store %arg18[%swap3A_260], %gather3A_259 {strides = array<i32>} : memref<80xi32, #tpu.memory_space<vmem>>, vector<16xi32>,
        %mul3A_262 = arith.constant 400 : i32
        %mul3A_263 = arith.muli %add3A_98, %mul3A_262 : i32
        %add3A_264 = arith.constant 160 : i32
        %add3A_265 = arith.addi %mul3A_263, %add3A_264 : i32
        %add3A_266 = arith.constant 64 : i32
        %add3A_267 = arith.addi %add3A_265, %add3A_266 : i32
        %get3A_268 = arith.index_cast %add3A_267 : i32 to index
        %get3A_269 = tpu.vector_load %arg8[%get3A_268] {strides = array<i32>} : memref<10000xi32, #tpu.memory_space<vmem>>, vector<16xi32>,
        %gather3A_270 = tpu.vector_load_idx %arg7[%get3A_269] : memref<10000xi32, #tpu.memory_space<vmem>>[vector<16xi32>], vector<16xi32>,
        %swap3A_271 = arith.constant 64 : index
        %swap3A_272 = tpu.vector_load %arg18[%swap3A_271] {strides = array<i32>} : memref<80xi32, #tpu.memory_space<vmem>>, vector<16xi32>,
        tpu.vector_store %arg18[%swap3A_271], %gather3A_270 {strides = array<i32>} : memref<80xi32, #tpu.memory_space<vmem>>, vector<16xi32>,
        %mul3A_273 = arith.constant 400 : i32
        %mul3A_274 = arith.muli %add3A_98, %mul3A_273 : i32
        %add3A_275 = arith.constant 240 : i32
        %add3A_276 = arith.addi %mul3A_274, %add3A_275 : i32
        %add3A_277 = arith.constant 0 : i32
        %add3A_278 = arith.addi %add3A_276, %add3A_277 : i32
        %get3A_279 = arith.index_cast %add3A_278 : i32 to index
        %get3A_280 = tpu.vector_load %arg8[%get3A_279] {strides = array<i32>} : memref<10000xi32, #tpu.memory_space<vmem>>, vector<16xi32>,
        %gather3A_281 = tpu.vector_load_idx %arg7[%get3A_280] : memref<10000xi32, #tpu.memory_space<vmem>>[vector<16xi32>], vector<16xi32>,
        %swap3A_282 = arith.constant 0 : index
        %swap3A_283 = tpu.vector_load %arg19[%swap3A_282] {strides = array<i32>} : memref<80xi32, #tpu.memory_space<vmem>>, vector<16xi32>,
        tpu.vector_store %arg19[%swap3A_282], %gather3A_281 {strides = array<i32>} : memref<80xi32, #tpu.memory_space<vmem>>, vector<16xi32>,
        %mul3A_284 = arith.constant 400 : i32
        %mul3A_285 = arith.muli %add3A_98, %mul3A_284 : i32
        %add3A_286 = arith.constant 240 : i32
        %add3A_287 = arith.addi %mul3A_285, %add3A_286 : i32
        %add3A_288 = arith.constant 16 : i32
        %add3A_289 = arith.addi %add3A_287, %add3A_288 : i32
        %get3A_290 = arith.index_cast %add3A_289 : i32 to index
        %get3A_291 = tpu.vector_load %arg8[%get3A_290] {strides = array<i32>} : memref<10000xi32, #tpu.memory_space<vmem>>, vector<16xi32>,
        %gather3A_292 = tpu.vector_load_idx %arg7[%get3A_291] : memref<10000xi32, #tpu.memory_space<vmem>>[vector<16xi32>], vector<16xi32>,
        %swap3A_293 = arith.constant 16 : index
        %swap3A_294 = tpu.vector_load %arg19[%swap3A_293] {strides = array<i32>} : memref<80xi32, #tpu.memory_space<vmem>>, vector<16xi32>,
        tpu.vector_store %arg19[%swap3A_293], %gather3A_292 {strides = array<i32>} : memref<80xi32, #tpu.memory_space<vmem>>, vector<16xi32>,
        %mul3A_295 = arith.constant 400 : i32
        %mul3A_296 = arith.muli %add3A_98, %mul3A_295 : i32
        %add3A_297 = arith.constant 240 : i32
        %add3A_298 = arith.addi %mul3A_296, %add3A_297 : i32
        %add3A_299 = arith.constant 32 : i32
        %add3A_300 = arith.addi %add3A_298, %add3A_299 : i32
        %get3A_301 = arith.index_cast %add3A_300 : i32 to index
        %get3A_302 = tpu.vector_load %arg8[%get3A_301] {strides = array<i32>} : memref<10000xi32, #tpu.memory_space<vmem>>, vector<16xi32>,
        %gather3A_303 = tpu.vector_load_idx %arg7[%get3A_302] : memref<10000xi32, #tpu.memory_space<vmem>>[vector<16xi32>], vector<16xi32>,
        %swap3A_304 = arith.constant 32 : index
        %swap3A_305 = tpu.vector_load %arg19[%swap3A_304] {strides = array<i32>} : memref<80xi32, #tpu.memory_space<vmem>>, vector<16xi32>,
        tpu.vector_store %arg19[%swap3A_304], %gather3A_303 {strides = array<i32>} : memref<80xi32, #tpu.memory_space<vmem>>, vector<16xi32>,
        %mul3A_306 = arith.constant 400 : i32
        %mul3A_307 = arith.muli %add3A_98, %mul3A_306 : i32
        %add3A_308 = arith.constant 240 : i32
        %add3A_309 = arith.addi %mul3A_307, %add3A_308 : i32
        %add3A_310 = arith.constant 48 : i32
        %add3A_311 = arith.addi %add3A_309, %add3A_310 : i32
        %get3A_312 = arith.index_cast %add3A_311 : i32 to index
        %get3A_313 = tpu.vector_load %arg8[%get3A_312] {strides = array<i32>} : memref<10000xi32, #tpu.memory_space<vmem>>, vector<16xi32>,
        %gather3A_314 = tpu.vector_load_idx %arg7[%get3A_313] : memref<10000xi32, #tpu.memory_space<vmem>>[vector<16xi32>], vector<16xi32>,
        %swap3A_315 = arith.constant 48 : index
        %swap3A_316 = tpu.vector_load %arg19[%swap3A_315] {strides = array<i32>} : memref<80xi32, #tpu.memory_space<vmem>>, vector<16xi32>,
        tpu.vector_store %arg19[%swap3A_315], %gather3A_314 {strides = array<i32>} : memref<80xi32, #tpu.memory_space<vmem>>, vector<16xi32>,
        %mul3A_317 = arith.constant 400 : i32
        %mul3A_318 = arith.muli %add3A_98, %mul3A_317 : i32
        %add3A_319 = arith.constant 240 : i32
        %add3A_320 = arith.addi %mul3A_318, %add3A_319 : i32
        %add3A_321 = arith.constant 64 : i32
        %add3A_322 = arith.addi %add3A_320, %add3A_321 : i32
        %get3A_323 = arith.index_cast %add3A_322 : i32 to index
        %get3A_324 = tpu.vector_load %arg8[%get3A_323] {strides = array<i32>} : memref<10000xi32, #tpu.memory_space<vmem>>, vector<16xi32>,
        %gather3A_325 = tpu.vector_load_idx %arg7[%get3A_324] : memref<10000xi32, #tpu.memory_space<vmem>>[vector<16xi32>], vector<16xi32>,
        %swap3A_326 = arith.constant 64 : index
        %swap3A_327 = tpu.vector_load %arg19[%swap3A_326] {strides = array<i32>} : memref<80xi32, #tpu.memory_space<vmem>>, vector<16xi32>,
        tpu.vector_store %arg19[%swap3A_326], %gather3A_325 {strides = array<i32>} : memref<80xi32, #tpu.memory_space<vmem>>, vector<16xi32>,
        %mul3A_328 = arith.constant 400 : i32
        %mul3A_329 = arith.muli %add3A_98, %mul3A_328 : i32
        %add3A_330 = arith.constant 320 : i32
        %add3A_331 = arith.addi %mul3A_329, %add3A_330 : i32
        %add3A_332 = arith.constant 0 : i32
        %add3A_333 = arith.addi %add3A_331, %add3A_332 : i32
        %get3A_334 = arith.index_cast %add3A_333 : i32 to index
        %get3A_335 = tpu.vector_load %arg8[%get3A_334] {strides = array<i32>} : memref<10000xi32, #tpu.memory_space<vmem>>, vector<16xi32>,
        %gather3A_336 = tpu.vector_load_idx %arg7[%get3A_335] : memref<10000xi32, #tpu.memory_space<vmem>>[vector<16xi32>], vector<16xi32>,
        %swap3A_337 = arith.constant 0 : index
        %swap3A_338 = tpu.vector_load %arg20[%swap3A_337] {strides = array<i32>} : memref<80xi32, #tpu.memory_space<vmem>>, vector<16xi32>,
        tpu.vector_store %arg20[%swap3A_337], %gather3A_336 {strides = array<i32>} : memref<80xi32, #tpu.memory_space<vmem>>, vector<16xi32>,
        %mul3A_339 = arith.constant 400 : i32
        %mul3A_340 = arith.muli %add3A_98, %mul3A_339 : i32
        %add3A_341 = arith.constant 320 : i32
        %add3A_342 = arith.addi %mul3A_340, %add3A_341 : i32
        %add3A_343 = arith.constant 16 : i32
        %add3A_344 = arith.addi %add3A_342, %add3A_343 : i32
        %get3A_345 = arith.index_cast %add3A_344 : i32 to index
        %get3A_346 = tpu.vector_load %arg8[%get3A_345] {strides = array<i32>} : memref<10000xi32, #tpu.memory_space<vmem>>, vector<16xi32>,
        %gather3A_347 = tpu.vector_load_idx %arg7[%get3A_346] : memref<10000xi32, #tpu.memory_space<vmem>>[vector<16xi32>], vector<16xi32>,
        %swap3A_348 = arith.constant 16 : index
        %swap3A_349 = tpu.vector_load %arg20[%swap3A_348] {strides = array<i32>} : memref<80xi32, #tpu.memory_space<vmem>>, vector<16xi32>,
        tpu.vector_store %arg20[%swap3A_348], %gather3A_347 {strides = array<i32>} : memref<80xi32, #tpu.memory_space<vmem>>, vector<16xi32>,
        %mul3A_350 = arith.constant 400 : i32
        %mul3A_351 = arith.muli %add3A_98, %mul3A_350 : i32
        %add3A_352 = arith.constant 320 : i32
        %add3A_353 = arith.addi %mul3A_351, %add3A_352 : i32
        %add3A_354 = arith.constant 32 : i32
        %add3A_355 = arith.addi %add3A_353, %add3A_354 : i32
        %get3A_356 = arith.index_cast %add3A_355 : i32 to index
        %get3A_357 = tpu.vector_load %arg8[%get3A_356] {strides = array<i32>} : memref<10000xi32, #tpu.memory_space<vmem>>, vector<16xi32>,
        %gather3A_358 = tpu.vector_load_idx %arg7[%get3A_357] : memref<10000xi32, #tpu.memory_space<vmem>>[vector<16xi32>], vector<16xi32>,
        %swap3A_359 = arith.constant 32 : index
        %swap3A_360 = tpu.vector_load %arg20[%swap3A_359] {strides = array<i32>} : memref<80xi32, #tpu.memory_space<vmem>>, vector<16xi32>,
        tpu.vector_store %arg20[%swap3A_359], %gather3A_358 {strides = array<i32>} : memref<80xi32, #tpu.memory_space<vmem>>, vector<16xi32>,
        %mul3A_361 = arith.constant 400 : i32
        %mul3A_362 = arith.muli %add3A_98, %mul3A_361 : i32
        %add3A_363 = arith.constant 320 : i32
        %add3A_364 = arith.addi %mul3A_362, %add3A_363 : i32
        %add3A_365 = arith.constant 48 : i32
        %add3A_366 = arith.addi %add3A_364, %add3A_365 : i32
        %get3A_367 = arith.index_cast %add3A_366 : i32 to index
        %get3A_368 = tpu.vector_load %arg8[%get3A_367] {strides = array<i32>} : memref<10000xi32, #tpu.memory_space<vmem>>, vector<16xi32>,
        %gather3A_369 = tpu.vector_load_idx %arg7[%get3A_368] : memref<10000xi32, #tpu.memory_space<vmem>>[vector<16xi32>], vector<16xi32>,
        %swap3A_370 = arith.constant 48 : index
        %swap3A_371 = tpu.vector_load %arg20[%swap3A_370] {strides = array<i32>} : memref<80xi32, #tpu.memory_space<vmem>>, vector<16xi32>,
        tpu.vector_store %arg20[%swap3A_370], %gather3A_369 {strides = array<i32>} : memref<80xi32, #tpu.memory_space<vmem>>, vector<16xi32>,
        %mul3A_372 = arith.constant 400 : i32
        %mul3A_373 = arith.muli %add3A_98, %mul3A_372 : i32
        %add3A_374 = arith.constant 320 : i32
        %add3A_375 = arith.addi %mul3A_373, %add3A_374 : i32
        %add3A_376 = arith.constant 64 : i32
        %add3A_377 = arith.addi %add3A_375, %add3A_376 : i32
        %get3A_378 = arith.index_cast %add3A_377 : i32 to index
        %get3A_379 = tpu.vector_load %arg8[%get3A_378] {strides = array<i32>} : memref<10000xi32, #tpu.memory_space<vmem>>, vector<16xi32>,
        %gather3A_380 = tpu.vector_load_idx %arg7[%get3A_379] : memref<10000xi32, #tpu.memory_space<vmem>>[vector<16xi32>], vector<16xi32>,
        %swap3A_381 = arith.constant 64 : index
        %swap3A_382 = tpu.vector_load %arg20[%swap3A_381] {strides = array<i32>} : memref<80xi32, #tpu.memory_space<vmem>>, vector<16xi32>,
        tpu.vector_store %arg20[%swap3A_381], %gather3A_380 {strides = array<i32>} : memref<80xi32, #tpu.memory_space<vmem>>, vector<16xi32>,
        %mul3A_383 = arith.constant 400 : i32
        %mul3A_384 = arith.muli %add3A_98, %mul3A_383 : i32
        %add3A_385 = arith.addi %mul3A_2, %mul3A_384 : i32
        %dma_wait3A_386 = arith.constant 0 : i32
        %dma_wait3A_387 = tpu.memref_slice %arg2[%add3A_385, %dma_wait3A_386] : memref<320000x128xf32, #tpu.memory_space<hbm>> -> memref<400x128xf32, #tpu.memory_space<hbm>>
        %dma_wait3A_388 = arith.constant 0 : i32
        %dma_wait3A_389 = tpu.memref_slice %arg2[%add3A_385, %dma_wait3A_388] : memref<320000x128xf32, #tpu.memory_space<hbm>> -> memref<400x128xf32, #tpu.memory_space<hbm>>
        tpu.wait_dma2 semaphore(%arg22 : memref<!tpu.dma_semaphore, #tpu.memory_space<semaphore_mem>>) src(%dma_wait3A_389 : memref<400x128xf32, #tpu.memory_space<hbm>>) dst(%arg10 : memref<400x128xf32, #tpu.memory_space<vmem>>)
        %dma_start3A_390 = arith.constant 0 : i32
        %dma_start3A_391 = arith.constant 0 : i32
        %dma_start3A_392 = tpu.memref_slice %arg10[%dma_start3A_390, %dma_start3A_391] : memref<400x128xf32, #tpu.memory_space<vmem>> -> memref<80x128xf32, #tpu.memory_space<vmem>>
        %dma_start3A_393 = arith.constant 0 : i32
        %dma_start3A_394 = arith.constant 0 : i32
        %dma_start3A_395 = tpu.memref_slice %arg25[%dma_start3A_393, %dma_start3A_394] : memref<512x128xf32, #tpu.memory_space<vmem_shared>> -> memref<512x128xf32, #tpu.memory_space<vmem_shared>>
        tpu.enqueue_indirect_dma source(%dma_start3A_392 : memref<80x128xf32, #tpu.memory_space<vmem>>) target(%dma_start3A_395 : memref<512x128xf32, #tpu.memory_space<vmem_shared>>) offsets(%arg16 : memref<80xi32, #tpu.memory_space<vmem>>) semaphore(%arg24 : memref<!tpu.dma_semaphore, #tpu.memory_space<semaphore_mem>>) {add = true}
        %dma_start3A_396 = arith.constant 80 : i32
        %dma_start3A_397 = arith.constant 0 : i32
        %dma_start3A_398 = tpu.memref_slice %arg10[%dma_start3A_396, %dma_start3A_397] : memref<400x128xf32, #tpu.memory_space<vmem>> -> memref<80x128xf32, #tpu.memory_space<vmem>>
        %dma_start3A_399 = arith.constant 0 : i32
        %dma_start3A_400 = arith.constant 0 : i32
        %dma_start3A_401 = tpu.memref_slice %arg25[%dma_start3A_399, %dma_start3A_400] : memref<512x128xf32, #tpu.memory_space<vmem_shared>> -> memref<512x128xf32, #tpu.memory_space<vmem_shared>>
        tpu.enqueue_indirect_dma source(%dma_start3A_398 : memref<80x128xf32, #tpu.memory_space<vmem>>) target(%dma_start3A_401 : memref<512x128xf32, #tpu.memory_space<vmem_shared>>) offsets(%arg17 : memref<80xi32, #tpu.memory_space<vmem>>) semaphore(%arg24 : memref<!tpu.dma_semaphore, #tpu.memory_space<semaphore_mem>>) {add = true}
        %dma_start3A_402 = arith.constant 160 : i32
        %dma_start3A_403 = arith.constant 0 : i32
        %dma_start3A_404 = tpu.memref_slice %arg10[%dma_start3A_402, %dma_start3A_403] : memref<400x128xf32, #tpu.memory_space<vmem>> -> memref<80x128xf32, #tpu.memory_space<vmem>>
        %dma_start3A_405 = arith.constant 0 : i32
        %dma_start3A_406 = arith.constant 0 : i32
        %dma_start3A_407 = tpu.memref_slice %arg25[%dma_start3A_405, %dma_start3A_406] : memref<512x128xf32, #tpu.memory_space<vmem_shared>> -> memref<512x128xf32, #tpu.memory_space<vmem_shared>>
        tpu.enqueue_indirect_dma source(%dma_start3A_404 : memref<80x128xf32, #tpu.memory_space<vmem>>) target(%dma_start3A_407 : memref<512x128xf32, #tpu.memory_space<vmem_shared>>) offsets(%arg18 : memref<80xi32, #tpu.memory_space<vmem>>) semaphore(%arg24 : memref<!tpu.dma_semaphore, #tpu.memory_space<semaphore_mem>>) {add = true}
        %dma_start3A_408 = arith.constant 240 : i32
        %dma_start3A_409 = arith.constant 0 : i32
        %dma_start3A_410 = tpu.memref_slice %arg10[%dma_start3A_408, %dma_start3A_409] : memref<400x128xf32, #tpu.memory_space<vmem>> -> memref<80x128xf32, #tpu.memory_space<vmem>>
        %dma_start3A_411 = arith.constant 0 : i32
        %dma_start3A_412 = arith.constant 0 : i32
        %dma_start3A_413 = tpu.memref_slice %arg25[%dma_start3A_411, %dma_start3A_412] : memref<512x128xf32, #tpu.memory_space<vmem_shared>> -> memref<512x128xf32, #tpu.memory_space<vmem_shared>>
        tpu.enqueue_indirect_dma source(%dma_start3A_410 : memref<80x128xf32, #tpu.memory_space<vmem>>) target(%dma_start3A_413 : memref<512x128xf32, #tpu.memory_space<vmem_shared>>) offsets(%arg19 : memref<80xi32, #tpu.memory_space<vmem>>) semaphore(%arg24 : memref<!tpu.dma_semaphore, #tpu.memory_space<semaphore_mem>>) {add = true}
        %dma_start3A_414 = arith.constant 320 : i32
        %dma_start3A_415 = arith.constant 0 : i32
        %dma_start3A_416 = tpu.memref_slice %arg10[%dma_start3A_414, %dma_start3A_415] : memref<400x128xf32, #tpu.memory_space<vmem>> -> memref<80x128xf32, #tpu.memory_space<vmem>>
        %dma_start3A_417 = arith.constant 0 : i32
        %dma_start3A_418 = arith.constant 0 : i32
        %dma_start3A_419 = tpu.memref_slice %arg25[%dma_start3A_417, %dma_start3A_418] : memref<512x128xf32, #tpu.memory_space<vmem_shared>> -> memref<512x128xf32, #tpu.memory_space<vmem_shared>>
        tpu.enqueue_indirect_dma source(%dma_start3A_416 : memref<80x128xf32, #tpu.memory_space<vmem>>) target(%dma_start3A_419 : memref<512x128xf32, #tpu.memory_space<vmem_shared>>) offsets(%arg20 : memref<80xi32, #tpu.memory_space<vmem>>) semaphore(%arg24 : memref<!tpu.dma_semaphore, #tpu.memory_space<semaphore_mem>>) {add = true}
      } else {
      }
    }
    %scan3A_13 = arith.constant 13 : i32
    %dma_wait3A = arith.constant 0 : i32
    %dma_wait3A_14 = arith.constant 0 : i32
    %dma_wait3A_15 = tpu.memref_slice %arg10[%dma_wait3A, %dma_wait3A_14] : memref<400x128xf32, #tpu.memory_space<vmem>> -> memref<80x128xf32, #tpu.memory_space<vmem>>
    %dma_wait3A_16 = arith.constant 0 : i32
    %dma_wait3A_17 = arith.constant 0 : i32
    %dma_wait3A_18 = tpu.memref_slice %arg25[%dma_wait3A_16, %dma_wait3A_17] : memref<512x128xf32, #tpu.memory_space<vmem_shared>> -> memref<512x128xf32, #tpu.memory_space<vmem_shared>>
    tpu.wait_indirect_dma semaphore(%arg24 : memref<!tpu.dma_semaphore, #tpu.memory_space<semaphore_mem>>) src(%dma_wait3A_15 : memref<80x128xf32, #tpu.memory_space<vmem>>) dst(%dma_wait3A_18 : memref<512x128xf32, #tpu.memory_space<vmem_shared>>)
    %dma_wait3A_19 = arith.constant 80 : i32
    %dma_wait3A_20 = arith.constant 0 : i32
    %dma_wait3A_21 = tpu.memref_slice %arg10[%dma_wait3A_19, %dma_wait3A_20] : memref<400x128xf32, #tpu.memory_space<vmem>> -> memref<80x128xf32, #tpu.memory_space<vmem>>
    %dma_wait3A_22 = arith.constant 0 : i32
    %dma_wait3A_23 = arith.constant 0 : i32
    %dma_wait3A_24 = tpu.memref_slice %arg25[%dma_wait3A_22, %dma_wait3A_23] : memref<512x128xf32, #tpu.memory_space<vmem_shared>> -> memref<512x128xf32, #tpu.memory_space<vmem_shared>>
    tpu.wait_indirect_dma semaphore(%arg24 : memref<!tpu.dma_semaphore, #tpu.memory_space<semaphore_mem>>) src(%dma_wait3A_21 : memref<80x128xf32, #tpu.memory_space<vmem>>) dst(%dma_wait3A_24 : memref<512x128xf32, #tpu.memory_space<vmem_shared>>)
    %dma_wait3A_25 = arith.constant 160 : i32
    %dma_wait3A_26 = arith.constant 0 : i32
    %dma_wait3A_27 = tpu.memref_slice %arg10[%dma_wait3A_25, %dma_wait3A_26] : memref<400x128xf32, #tpu.memory_space<vmem>> -> memref<80x128xf32, #tpu.memory_space<vmem>>
    %dma_wait3A_28 = arith.constant 0 : i32
    %dma_wait3A_29 = arith.constant 0 : i32
    %dma_wait3A_30 = tpu.memref_slice %arg25[%dma_wait3A_28, %dma_wait3A_29] : memref<512x128xf32, #tpu.memory_space<vmem_shared>> -> memref<512x128xf32, #tpu.memory_space<vmem_shared>>
    tpu.wait_indirect_dma semaphore(%arg24 : memref<!tpu.dma_semaphore, #tpu.memory_space<semaphore_mem>>) src(%dma_wait3A_27 : memref<80x128xf32, #tpu.memory_space<vmem>>) dst(%dma_wait3A_30 : memref<512x128xf32, #tpu.memory_space<vmem_shared>>)
    %dma_wait3A_31 = arith.constant 240 : i32
    %dma_wait3A_32 = arith.constant 0 : i32
    %dma_wait3A_33 = tpu.memref_slice %arg10[%dma_wait3A_31, %dma_wait3A_32] : memref<400x128xf32, #tpu.memory_space<vmem>> -> memref<80x128xf32, #tpu.memory_space<vmem>>
    %dma_wait3A_34 = arith.constant 0 : i32
    %dma_wait3A_35 = arith.constant 0 : i32
    %dma_wait3A_36 = tpu.memref_slice %arg25[%dma_wait3A_34, %dma_wait3A_35] : memref<512x128xf32, #tpu.memory_space<vmem_shared>> -> memref<512x128xf32, #tpu.memory_space<vmem_shared>>
    tpu.wait_indirect_dma semaphore(%arg24 : memref<!tpu.dma_semaphore, #tpu.memory_space<semaphore_mem>>) src(%dma_wait3A_33 : memref<80x128xf32, #tpu.memory_space<vmem>>) dst(%dma_wait3A_36 : memref<512x128xf32, #tpu.memory_space<vmem_shared>>)
    %dma_wait3A_37 = arith.constant 320 : i32
    %dma_wait3A_38 = arith.constant 0 : i32
    %dma_wait3A_39 = tpu.memref_slice %arg10[%dma_wait3A_37, %dma_wait3A_38] : memref<400x128xf32, #tpu.memory_space<vmem>> -> memref<80x128xf32, #tpu.memory_space<vmem>>
    %dma_wait3A_40 = arith.constant 0 : i32
    %dma_wait3A_41 = arith.constant 0 : i32
    %dma_wait3A_42 = tpu.memref_slice %arg25[%dma_wait3A_40, %dma_wait3A_41] : memref<512x128xf32, #tpu.memory_space<vmem_shared>> -> memref<512x128xf32, #tpu.memory_space<vmem_shared>>
    tpu.wait_indirect_dma semaphore(%arg24 : memref<!tpu.dma_semaphore, #tpu.memory_space<semaphore_mem>>) src(%dma_wait3A_39 : memref<80x128xf32, #tpu.memory_space<vmem>>) dst(%dma_wait3A_42 : memref<512x128xf32, #tpu.memory_space<vmem_shared>>)
    %dma_wait3A_43 = arith.constant 0 : i32
    %dma_wait3A_44 = arith.constant 0 : i32
    %dma_wait3A_45 = tpu.memref_slice %arg9[%dma_wait3A_43, %dma_wait3A_44] : memref<400x128xf32, #tpu.memory_space<vmem>> -> memref<80x128xf32, #tpu.memory_space<vmem>>
    %dma_wait3A_46 = arith.constant 0 : i32
    %dma_wait3A_47 = arith.constant 0 : i32
    %dma_wait3A_48 = tpu.memref_slice %arg25[%dma_wait3A_46, %dma_wait3A_47] : memref<512x128xf32, #tpu.memory_space<vmem_shared>> -> memref<512x128xf32, #tpu.memory_space<vmem_shared>>
    tpu.wait_indirect_dma semaphore(%arg23 : memref<!tpu.dma_semaphore, #tpu.memory_space<semaphore_mem>>) src(%dma_wait3A_45 : memref<80x128xf32, #tpu.memory_space<vmem>>) dst(%dma_wait3A_48 : memref<512x128xf32, #tpu.memory_space<vmem_shared>>)
    %dma_wait3A_49 = arith.constant 80 : i32
    %dma_wait3A_50 = arith.constant 0 : i32
    %dma_wait3A_51 = tpu.memref_slice %arg9[%dma_wait3A_49, %dma_wait3A_50] : memref<400x128xf32, #tpu.memory_space<vmem>> -> memref<80x128xf32, #tpu.memory_space<vmem>>
    %dma_wait3A_52 = arith.constant 0 : i32
    %dma_wait3A_53 = arith.constant 0 : i32
    %dma_wait3A_54 = tpu.memref_slice %arg25[%dma_wait3A_52, %dma_wait3A_53] : memref<512x128xf32, #tpu.memory_space<vmem_shared>> -> memref<512x128xf32, #tpu.memory_space<vmem_shared>>
    tpu.wait_indirect_dma semaphore(%arg23 : memref<!tpu.dma_semaphore, #tpu.memory_space<semaphore_mem>>) src(%dma_wait3A_51 : memref<80x128xf32, #tpu.memory_space<vmem>>) dst(%dma_wait3A_54 : memref<512x128xf32, #tpu.memory_space<vmem_shared>>)
    %dma_wait3A_55 = arith.constant 160 : i32
    %dma_wait3A_56 = arith.constant 0 : i32
    %dma_wait3A_57 = tpu.memref_slice %arg9[%dma_wait3A_55, %dma_wait3A_56] : memref<400x128xf32, #tpu.memory_space<vmem>> -> memref<80x128xf32, #tpu.memory_space<vmem>>
    %dma_wait3A_58 = arith.constant 0 : i32
    %dma_wait3A_59 = arith.constant 0 : i32
    %dma_wait3A_60 = tpu.memref_slice %arg25[%dma_wait3A_58, %dma_wait3A_59] : memref<512x128xf32, #tpu.memory_space<vmem_shared>> -> memref<512x128xf32, #tpu.memory_space<vmem_shared>>
    tpu.wait_indirect_dma semaphore(%arg23 : memref<!tpu.dma_semaphore, #tpu.memory_space<semaphore_mem>>) src(%dma_wait3A_57 : memref<80x128xf32, #tpu.memory_space<vmem>>) dst(%dma_wait3A_60 : memref<512x128xf32, #tpu.memory_space<vmem_shared>>)
    %dma_wait3A_61 = arith.constant 240 : i32
    %dma_wait3A_62 = arith.constant 0 : i32
    %dma_wait3A_63 = tpu.memref_slice %arg9[%dma_wait3A_61, %dma_wait3A_62] : memref<400x128xf32, #tpu.memory_space<vmem>> -> memref<80x128xf32, #tpu.memory_space<vmem>>
    %dma_wait3A_64 = arith.constant 0 : i32
    %dma_wait3A_65 = arith.constant 0 : i32
    %dma_wait3A_66 = tpu.memref_slice %arg25[%dma_wait3A_64, %dma_wait3A_65] : memref<512x128xf32, #tpu.memory_space<vmem_shared>> -> memref<512x128xf32, #tpu.memory_space<vmem_shared>>
    tpu.wait_indirect_dma semaphore(%arg23 : memref<!tpu.dma_semaphore, #tpu.memory_space<semaphore_mem>>) src(%dma_wait3A_63 : memref<80x128xf32, #tpu.memory_space<vmem>>) dst(%dma_wait3A_66 : memref<512x128xf32, #tpu.memory_space<vmem_shared>>)
    %dma_wait3A_67 = arith.constant 320 : i32
    %dma_wait3A_68 = arith.constant 0 : i32
    %dma_wait3A_69 = tpu.memref_slice %arg9[%dma_wait3A_67, %dma_wait3A_68] : memref<400x128xf32, #tpu.memory_space<vmem>> -> memref<80x128xf32, #tpu.memory_space<vmem>>
    %dma_wait3A_70 = arith.constant 0 : i32
    %dma_wait3A_71 = arith.constant 0 : i32
    %dma_wait3A_72 = tpu.memref_slice %arg25[%dma_wait3A_70, %dma_wait3A_71] : memref<512x128xf32, #tpu.memory_space<vmem_shared>> -> memref<512x128xf32, #tpu.memory_space<vmem_shared>>
    tpu.wait_indirect_dma semaphore(%arg23 : memref<!tpu.dma_semaphore, #tpu.memory_space<semaphore_mem>>) src(%dma_wait3A_69 : memref<80x128xf32, #tpu.memory_space<vmem>>) dst(%dma_wait3A_72 : memref<512x128xf32, #tpu.memory_space<vmem_shared>>)
    %barrier3A_73 = arith.constant 0 : index
    tpu.barrier barrier_id(%barrier3A_73)
    %eq3A_74 = arith.constant 0 : i32
    %eq3A_75 = arith.cmpi eq, %arg1, %eq3A_74 : i32
    %convert_element_type3A_76 = arith.extui %eq3A_75 : i1 to i32
    %cond3A_77 = arith.constant 0 : i32
    %cond3A_78 = arith.cmpi ne, %convert_element_type3A_76, %cond3A_77 : i32
    scf.if %cond3A_78 {
      "tpu.region"() ({
        %run_scoped3A = tpu.sem_alloc : memref<!tpu.dma_semaphore, #tpu.memory_space<semaphore_mem>>
        %dma_start3A_79 = arith.constant 0 : i32
        %dma_start3A_80 = arith.constant 0 : i32
        %dma_start3A_81 = tpu.memref_slice %arg6[%arg0, %dma_start3A_79, %dma_start3A_80] : memref<2x512x128xf32, #tpu.memory_space<hbm>> -> memref<1x512x128xf32, #tpu.memory_space<hbm>>
        %dma_start3A_82 = tpu.memref_squeeze %dma_start3A_81 : memref<1x512x128xf32, #tpu.memory_space<hbm>> -> memref<512x128xf32, #tpu.memory_space<hbm>>
        tpu.enqueue_dma source(%arg25 : memref<512x128xf32, #tpu.memory_space<vmem_shared>>) target(%dma_start3A_82 : memref<512x128xf32, #tpu.memory_space<hbm>>) target_semaphore(%run_scoped3A : memref<!tpu.dma_semaphore, #tpu.memory_space<semaphore_mem>>)
        %dma_wait3A_83 = arith.constant 0 : i32
        %dma_wait3A_84 = arith.constant 0 : i32
        %dma_wait3A_85 = tpu.memref_slice %arg6[%arg0, %dma_wait3A_83, %dma_wait3A_84] : memref<2x512x128xf32, #tpu.memory_space<hbm>> -> memref<1x512x128xf32, #tpu.memory_space<hbm>>
        %dma_wait3A_86 = tpu.memref_squeeze %dma_wait3A_85 : memref<1x512x128xf32, #tpu.memory_space<hbm>> -> memref<512x128xf32, #tpu.memory_space<hbm>>
        tpu.wait_dma2 semaphore(%run_scoped3A : memref<!tpu.dma_semaphore, #tpu.memory_space<semaphore_mem>>) src(%arg25 : memref<512x128xf32, #tpu.memory_space<vmem_shared>>) dst(%dma_wait3A_86 : memref<512x128xf32, #tpu.memory_space<hbm>>)
        tpu.yield
      }) : () -> ()
    } else {
    }
    return
  }
}

module attributes {stable_mosaic.version = 14 : i64} {
  func.func @_dense_body(%arg0: memref<2x512x128xf32, #tpu.memory_space<vmem>>, %arg1: memref<128x128xf32, #tpu.memory_space<vmem>>, %arg2: memref<128x128xf32, #tpu.memory_space<vmem>>, %arg3: memref<128x128xf32, #tpu.memory_space<vmem>>, %arg4: memref<1x128xf32, #tpu.memory_space<vmem>>, %arg5: memref<1x128xf32, #tpu.memory_space<vmem>>, %arg6: memref<1x128xf32, #tpu.memory_space<vmem>>, %arg7: memref<1x128xf32, #tpu.memory_space<vmem>>, %arg8: memref<512x128xf32, #tpu.memory_space<vmem>>) attributes {dimension_semantics = [], scalar_prefetch = 0 : i64, scratch_operands = 0 : i64, tpu.core_type = #tpu.core_type<tc>} {
    %get3A = arith.constant 0 : index
    %get3A_0 = arith.constant 0 : index
    %get3A_1 = arith.constant 0 : index
    %get3A_2 = vector.load %arg0[%get3A, %get3A_0, %get3A_1] : memref<2x512x128xf32, #tpu.memory_space<vmem>>, vector<1x512x128xf32>
    %get3A_3 = vector.shape_cast %get3A_2 : vector<1x512x128xf32> to vector<512x128xf32>
    %get3A_4 = arith.constant 1 : index
    %get3A_5 = arith.constant 0 : index
    %get3A_6 = arith.constant 0 : index
    %get3A_7 = vector.load %arg0[%get3A_4, %get3A_5, %get3A_6] : memref<2x512x128xf32, #tpu.memory_space<vmem>>, vector<1x512x128xf32>
    %get3A_8 = vector.shape_cast %get3A_7 : vector<1x512x128xf32> to vector<512x128xf32>
    %add3A = arith.addf %get3A_3, %get3A_8 : vector<512x128xf32>
    %get3A_9 = arith.constant 0 : index
    %get3A_10 = arith.constant 0 : index
    %get3A_11 = vector.load %arg1[%get3A_9, %get3A_10] : memref<128x128xf32, #tpu.memory_space<vmem>>, vector<128x128xf32>
    %dot_general3A = arith.constant dense<0.000000e+00> : vector<512x128xf32>
    %dot_general3A_12 = tpu.matmul %add3A, %get3A_11, %dot_general3A {dimension_numbers = #tpu.dot_dimension_numbers<[1], [1], [0], [0], [0, 0, 1, 0], [], []>, transpose_lhs_hint = false} : vector<512x128xf32>, vector<128x128xf32>, vector<512x128xf32> -> vector<512x128xf32>
    %get3A_13 = arith.constant 0 : index
    %get3A_14 = arith.constant 0 : index
    %get3A_15 = vector.load %arg2[%get3A_13, %get3A_14] : memref<128x128xf32, #tpu.memory_space<vmem>>, vector<128x128xf32>
    %dot_general3A_16 = arith.constant dense<0.000000e+00> : vector<512x128xf32>
    %dot_general3A_17 = tpu.matmul %dot_general3A_12, %get3A_15, %dot_general3A_16 {dimension_numbers = #tpu.dot_dimension_numbers<[1], [1], [0], [0], [0, 0, 1, 0], [], []>, transpose_lhs_hint = false} : vector<512x128xf32>, vector<128x128xf32>, vector<512x128xf32> -> vector<512x128xf32>
    %get3A_18 = arith.constant 0 : index
    %get3A_19 = arith.constant 0 : index
    %get3A_20 = vector.load %arg6[%get3A_18, %get3A_19] : memref<1x128xf32, #tpu.memory_space<vmem>>, vector<1x128xf32>
    %sub3A = vector.broadcast %get3A_20 : vector<1x128xf32> to vector<512x128xf32>
    %sub3A_21 = arith.subf %dot_general3A_17, %sub3A : vector<512x128xf32>
    %get3A_22 = arith.constant 0 : index
    %get3A_23 = arith.constant 0 : index
    %get3A_24 = vector.load %arg7[%get3A_22, %get3A_23] : memref<1x128xf32, #tpu.memory_space<vmem>>, vector<1x128xf32>
    %add3A_25 = arith.constant 9.99999974E-6 : f32
    %add3A_26 = vector.broadcast %add3A_25 : f32 to vector<1x128xf32>
    %add3A_27 = arith.addf %get3A_24, %add3A_26 : vector<1x128xf32>
    %rsqrt3A = math.rsqrt %add3A_27 : vector<1x128xf32>
    %mul3A = vector.broadcast %rsqrt3A : vector<1x128xf32> to vector<512x128xf32>
    %mul3A_28 = arith.mulf %sub3A_21, %mul3A : vector<512x128xf32>
    %get3A_29 = arith.constant 0 : index
    %get3A_30 = arith.constant 0 : index
    %get3A_31 = vector.load %arg4[%get3A_29, %get3A_30] : memref<1x128xf32, #tpu.memory_space<vmem>>, vector<1x128xf32>
    %mul3A_32 = vector.broadcast %get3A_31 : vector<1x128xf32> to vector<512x128xf32>
    %mul3A_33 = arith.mulf %mul3A_28, %mul3A_32 : vector<512x128xf32>
    %get3A_34 = arith.constant 0 : index
    %get3A_35 = arith.constant 0 : index
    %get3A_36 = vector.load %arg5[%get3A_34, %get3A_35] : memref<1x128xf32, #tpu.memory_space<vmem>>, vector<1x128xf32>
    %add3A_37 = vector.broadcast %get3A_36 : vector<1x128xf32> to vector<512x128xf32>
    %add3A_38 = arith.addf %mul3A_33, %add3A_37 : vector<512x128xf32>
    %integer_pow3A = arith.mulf %add3A_38, %add3A_38 : vector<512x128xf32>
    %integer_pow3A_39 = arith.mulf %add3A_38, %integer_pow3A : vector<512x128xf32>
    %mul3A_40 = arith.constant 4.471500e-02 : f32
    %mul3A_41 = vector.broadcast %mul3A_40 : f32 to vector<512x128xf32>
    %mul3A_42 = arith.mulf %mul3A_41, %integer_pow3A_39 : vector<512x128xf32>
    %add3A_43 = arith.addf %add3A_38, %mul3A_42 : vector<512x128xf32>
    %mul3A_44 = arith.constant 0.797884583 : f32
    %mul3A_45 = vector.broadcast %mul3A_44 : f32 to vector<512x128xf32>
    %mul3A_46 = arith.mulf %mul3A_45, %add3A_43 : vector<512x128xf32>
    %tanh3A = math.tanh %mul3A_46 : vector<512x128xf32>
    %add3A_47 = arith.constant 1.000000e+00 : f32
    %add3A_48 = vector.broadcast %add3A_47 : f32 to vector<512x128xf32>
    %add3A_49 = arith.addf %add3A_48, %tanh3A : vector<512x128xf32>
    %mul3A_50 = arith.constant 5.000000e-01 : f32
    %mul3A_51 = vector.broadcast %mul3A_50 : f32 to vector<512x128xf32>
    %mul3A_52 = arith.mulf %mul3A_51, %add3A_49 : vector<512x128xf32>
    %mul3A_53 = arith.mulf %add3A_38, %mul3A_52 : vector<512x128xf32>
    %get3A_54 = arith.constant 0 : index
    %get3A_55 = arith.constant 0 : index
    %get3A_56 = vector.load %arg3[%get3A_54, %get3A_55] : memref<128x128xf32, #tpu.memory_space<vmem>>, vector<128x128xf32>
    %dot_general3A_57 = arith.constant dense<0.000000e+00> : vector<512x128xf32>
    %dot_general3A_58 = tpu.matmul %mul3A_53, %get3A_56, %dot_general3A_57 {dimension_numbers = #tpu.dot_dimension_numbers<[1], [1], [0], [0], [0, 0, 1, 0], [], []>, transpose_lhs_hint = false} : vector<512x128xf32>, vector<128x128xf32>, vector<512x128xf32> -> vector<512x128xf32>
    %swap3A = arith.constant 0 : index
    %swap3A_59 = arith.constant 0 : index
    %swap3A_60 = vector.load %arg8[%swap3A, %swap3A_59] : memref<512x128xf32, #tpu.memory_space<vmem>>, vector<512x128xf32>
    tpu.vector_store %arg8[%swap3A, %swap3A_59], %dot_general3A_58 {strides = array<i32>} : memref<512x128xf32, #tpu.memory_space<vmem>>, vector<512x128xf32>,
    return
  }
}

</mosaic_0001>

<sc_bundles>
// kernel: kernel.4.cloned.1.call-start
scs
__scs_entry_jumppad:
0x0: {  	(pc) =	sbr.rel $0x88, $3  }
0x1: {  	(tag) =	ssettag $0x0;
	lr =	simm.s32 $0x1  }
0x2: {  	[smem:$0x3F97] =	sst lr;
	_ =	strace $0xD0000000  }
0x3: {  	_ = 	snop  }
0x4: {  	_ = 	snop  }
0x5: {  	_ = 	snop  }
0x6: {  	_ = 	snop  }
0x7: {  	_ = 	snop  }
__scs_overlays_trampoline_lowered:
0x8: {  	[smem:$0x3FA6] =	sst s0  }
0x9: {  	[smem:$0x3FA7] =	sst s1  }
0xa: {  	[smem:$0x3FA8] =	sst s2  }
0xb: {  	[smem:$0x3FA9] =	sst s3  }
0xc: {  	[smem:$0x3FAA] =	sst s4  }
0xd: {  	[smem:$0x3FAB] =	sst s5  }
0xe: {  	[smem:$0x3FAC] =	sst s6  }
0xf: {  	[smem:$0x3FAD] =	sst s7  }
0x10: {  	[smem:$0x3FAE] =	sst s8  }
0x11: {  	[smem:$0x3FAF] =	sst s9;
	s0 =	simm.s32 @!p0 $0x0  }
0x12: {  	s1 =	sld [smem:$0x3F95];
	s0 =	simm.s32 @p0 $0x1  }
0x13: {  	[smem:$0x3FB0] =	sst s0;
	s0 =	simm.s32 @!p1 $0x0  }
0x14: {  	s2 =	sld [smem:$0x3F94];
	s0 =	simm.s32 @p1 $0x1  }
0x15: {  	[smem:$0x3FB1] =	sst s0;
	s0 =	simm.s32 @!p2 $0x0  }
0x16: {  	s3 =	sld [smem:$0x3FDB];
	s0 =	simm.s32 @p2 $0x1  }
0x17: {  	s4 =	simm.s32 $0x1BF5;
	[smem:$0x3FB3] =	sst s0  }
0x18: {  	s0 =	sld [smem:$0x3F96];
	_ =	swait.ge [sflag:s4], $0x0  }
0x19: {  	s7 =	sld [smem:$0x3F97]  }
0x1a: {  	s8 =	sadd.s32 $0xFFFFE003, lr  }
0x1b: {  	s9 =	sadd.s32 $0xFFFFFEF7, lr;
	s5 =	simm.s32 $0xFFFFFFFF;
	p2 =	slt.u32 s8, $0xFFFFF086  }
0x1c: {  	p1 =	slt.u32 s9, $0xF7A;
	s5 =	simm.s32 @!p2 $0x0  }
0x1d: {  	s5 =	simm.s32 @p1 $0x1;
	p0 =	seq.s32 s7, s2  }
0x1e: {  	s7 =	smul.u32 @!p0 $0xF7A, s2;
	p2 =	seq.s32 @!p0 s5, $0x0  }
0x1f: {  	s9 =	smul.u32 $0xF7A, s1;
	s8 =	simm.s32 @!p0 $0x1BF5;
	p2 =	por !p2, p0  }
0x20: {  	[sflag:s8] =	ssyncset.s32 @!p0 $0xFFFFF086;
	s6 =	sadd.s32 @!p0 s3, s7;
	s7 =	simm.s32 @!p0 $0x108  }
0x21: {  	s3 =	sadd.s32 s3, s9;
	s6 =	sadd.s32 @!p0 $0x88, s6;
	s7 =	simm.s32 @p2 $0x1082  }
0x22: {  	[simem:s7], [sflag:s8] =	dma.local @!p0 [hbm:s6], $0xF7A  }
0x23: {  	s9 =	sor.u32 $0xD0000000, s2;
	s6 =	simm.s32 $0x108;
	_ =	swait.ge @!p0 [sflag:s8], $0x0  }
0x24: {  	s3 =	sadd.s32 $0x88, s3;
	s6 =	simm.s32 @!p1 $0x1082;
	[sflag:s4] =	ssyncset.s32 $0xFFFFF086  }
0x25: {  	[simem:s6], [sflag:s4] =	dma.local [hbm:s3], $0xF7A  }
0x26: {  	[smem:$0x3F97] =	sst s1;
	(tag) =	ssettag s2;
	_ =	strace s9  }
0x27: {  	s1 =	sld [smem:$0x3FA7]  }
0x28: {  	s2 =	sld [smem:$0x3FA8]  }
0x29: {  	s4 =	sld [smem:$0x3FAA]  }
0x2a: {  	p0 =	seq.s32 s5, $0x0;
	s5 =	sld [smem:$0x3FAB]  }
0x2b: {  	s6 =	sld [smem:$0x3FAC]  }
0x2c: {  	s7 =	sld [smem:$0x3FAD]  }
0x2d: {  	s3 =	simm.s32 $0x108;
	s8 =	sld [smem:$0x3FAE]  }
0x2e: {  	s3 =	simm.s32 @!p0 $0x1082;
	s9 =	sld [smem:$0x3FAF]  }
0x2f: {  	lr =	sadd.s32 s0, s3;
	s0 =	sld [smem:$0x3FA6]  }
0x30: {  	s3 =	sld [smem:$0x3FA9]  }
0x31: {  	[smem:$0x3FB2] =	sst s10  }
0x32: {  	s10 =	sld [smem:$0x3FB0];
	_ =	sdelay $0x3  }
0x33: {  	p0 =	seq.s32 s10, $0x1;
	s10 =	sld [smem:$0x3FB2];
	_ =	sdelay $0x3  }
0x34: {  	[smem:$0x3FB2] =	sst s10  }
0x35: {  	s10 =	sld [smem:$0x3FB1];
	_ =	sdelay $0x3  }
0x36: {  	p1 =	seq.s32 s10, $0x1;
	s10 =	sld [smem:$0x3FB2];
	_ =	sdelay $0x3  }
0x37: {  	[smem:$0x3FB2] =	sst s10  }
0x38: {  	s10 =	sld [smem:$0x3FB3]  }
0x39: {  	_ = 	snop;
	(pc) =	sbr.ind lr, $3  }
0x3a: {  	_ = 	snop  }
0x3b: {  	_ = 	snop  }
0x3c: {  	p2 =	seq.s32 s10, $0x1;
	s10 =	sld [smem:$0x3FB2]  }
0x3d: {  	_ =	shalt  }
0x3e: {  	_ =	shalt  }
0x3f: {  	_ =	shalt  }
0x40: {  	_ =	shalt  }
0x41: {  	_ =	shalt  }
0x42: {  	_ =	shalt  }
0x43: {  	_ =	shalt  }
0x44: {  	_ =	shalt  }
0x45: {  	_ =	shalt  }
0x46: {  	_ =	shalt  }
0x47: {  	_ =	shalt  }
0x48: {  	_ =	shalt  }
0x49: {  	_ =	shalt  }
0x4a: {  	_ =	shalt  }
0x4b: {  	_ =	shalt  }
0x4c: {  	_ =	shalt  }
0x4d: {  	_ =	shalt  }
0x4e: {  	_ =	shalt  }
0x4f: {  	_ =	shalt  }
0x50: {  	_ =	shalt  }
0x51: {  	_ =	shalt  }
0x52: {  	_ =	shalt  }
0x53: {  	_ =	shalt  }
0x54: {  	_ =	shalt  }
0x55: {  	_ =	shalt  }
0x56: {  	_ =	shalt  }
0x57: {  	_ =	shalt  }
0x58: {  	_ =	shalt  }
0x59: {  	_ =	shalt  }
0x5a: {  	_ =	shalt  }
0x5b: {  	_ =	shalt  }
0x5c: {  	_ =	shalt  }
0x5d: {  	_ =	shalt  }
0x5e: {  	_ =	shalt  }
0x5f: {  	_ =	shalt  }
0x60: {  	_ =	shalt  }
0x61: {  	_ =	shalt  }
0x62: {  	_ =	shalt  }
0x63: {  	_ =	shalt  }
0x64: {  	_ =	shalt  }
0x65: {  	_ =	shalt  }
0x66: {  	_ =	shalt  }
0x67: {  	_ =	shalt  }
0x68: {  	_ =	shalt  }
0x69: {  	_ =	shalt  }
0x6a: {  	_ =	shalt  }
0x6b: {  	_ =	shalt  }
0x6c: {  	_ =	shalt  }
0x6d: {  	_ =	shalt  }
0x6e: {  	_ =	shalt  }
0x6f: {  	_ =	shalt  }
0x70: {  	_ =	shalt  }
0x71: {  	_ =	shalt  }
0x72: {  	_ =	shalt  }
0x73: {  	_ =	shalt  }
0x74: {  	_ =	shalt  }
0x75: {  	_ =	shalt  }
0x76: {  	_ =	shalt  }
0x77: {  	_ =	shalt  }
0x78: {  	_ =	shalt  }
0x79: {  	_ =	shalt  }
0x7a: {  	_ =	shalt  }
0x7b: {  	_ =	shalt  }
0x7c: {  	_ =	shalt  }
0x7d: {  	_ =	shalt  }
0x7e: {  	_ =	shalt  }
0x7f: {  	_ =	shalt  }
0x80: {  	_ =	shalt  }
0x81: {  	_ =	shalt  }
0x82: {  	_ =	shalt  }
0x83: {  	_ =	shalt  }
0x84: {  	_ =	shalt  }
0x85: {  	_ =	shalt  }
0x86: {  	_ =	shalt  }
0x87: {  	_ =	shalt  }
.Lfunc_end0:
.L_simem_size_0:
called_computation_lowered:
.L_overlay_start_0:
0x88: {  	s2 =	sld [smem:$0x3FD9]  }
0x89: {  	s3 =	sld [smem:$0x3FFE];
	_ =	sdelay $0x1  }
0x8a: {  	s1 =	srdreg.scid  }
0x8b: {  	s0 =	sand.u32 $0x1, s1  }
0x8c: {  	s17 =	sshll.u32 s0, $0xA;
	s2 =	sadd.s32 s3, s2  }
0x8d: {  	s2 =	sadd.s32 s2, s17  }
0x8e: {  	[smem:$0x3FBE] =	sst s2  }
0x8f: {  	_ = 	snop  }
0x90: {  	s2 =	sld [smem:$0x3FC9]  }
0x91: {  	s18 =	sld [smem:$0x3FC8]  }
0x92: {  	s4 =	sld [smem:$0x3FD0];
	(tm) =	ssettm $0x1  }
0x93: {  	s5 =	sld [smem:$0x3FFB];
	_ =	sdelay $0x3  }
0x94: {  	_ =	strace s5  }
0x95: {  	s5 =	sld [smem:$0x3FFC];
	_ =	sdelay $0x3  }
0x96: {  	_ =	strace s5  }
0x97: {  	s5 =	sld [smem:$0x3FFD];
	_ =	sdelay $0x3  }
0x98: {  	_ =	strace s5  }
0x99: {  	_ =	strace $0x8FFFFFFF  }
0x9a: {  	s19 =	sld [smem:$0x3FDB];
	_ =	sdelay $0x1  }
0x9b: {  	s6 =	simm.s32 $_scs_section_size  }
0x9c: {  	s7 =	simm.s32 $_size__tile_overlayer_lowered;
	s8 =	simm.s32 $_tile_overlayer_lowered  }
0x9d: {  	s22 =	simm.s32 $0x1BFF;
	s21 =	sshll.u32 s8, $0x1;
	s5 =	sadd.s32 s6, s19  }
0x9e: {  	s9 =	simm.s32 $0x0;
	s20 =	sshll.u32 s7, $0x1;
	s7 =	sadd.s32 s21, s5  }
0x9f: {  	[timem:s9], [sflag:s22] =	dma.local [hbm:s7], s20  }
0xa0: {  	_ =	swait.ge [sflag:s22], s20  }
0xa1: {  	s6 =	ssub.s32 $0x0, s20;
	[sflag:s22] =	ssyncset.done $0x0  }
0xa2: {  	[sflag:s22] =	ssyncadd.s32 s6;
	_ =	sdelay $0x1  }
0xa3: {  	s23 =	simm.s32 $0x1B8B  }
0xa4: {  	_ =	swait.ge [sflag:s23], $0x1  }
0xa5: {  	[sflag:s23] =	ssyncset.done $0x0  }
0xa6: {  	s25 =	simm.s32 $0x1B8E;
	s24 =	sld [smem:$0x3FFE];
	[sflag:s23] =	ssyncadd.s32 $0xFFFFFFFF  }
0xa7: {  	s26 =	simm.s32 $execute0_lowered;
	[smem:$0x3FD2] =	sst s25  }
0xa8: {  	s7 =	sshll.u32 s26, $0x1;
	_ =	strace $0x80000046;
	[dreg:$0x1] =	wrdreg $0xFFFFFFFF  }
0xa9: {  	s28 =	simm.s32 $_size_execute0_lowered;
	s5 =	sadd.s32 s5, s7;
	[dreg:$0x0] =	wrdreg $0x0  }
0xaa: {  	s7 =	sshll.u32 s28, $0x1;
	[dreg:$0x2] =	wrdreg s5  }
0xab: {  	[dreg:$0x3] =	wrdreg s7  }
0xac: {  	[dreg:$0x4] =	wrdreg $0xC0  }
0xad: {  	_ =	task [dreg:s9], $0x5FFFF  }
0xae: {  	[dreg:$0x1] =	wrdreg $0xFFFFFFFF  }
0xaf: {  	[dreg:$0x0] =	wrdreg $0x60  }
0xb0: {  	[dreg:$0x2] =	wrdreg s2  }
0xb1: {  	[dreg:$0x3] =	wrdreg s24  }
0xb2: {  	[dreg:$0x4] =	wrdreg s18  }
0xb3: {  	[dreg:$0x5] =	wrdreg s4  }
0xb4: {  	[dreg:$0x6] =	wrdreg $0x1E4000  }
0xb5: {  	[dreg:$0x7] =	wrdreg $0x9  }
0xb6: {  	_ =	task.clear_ibuf [dreg:s9], $0x8FFFF;
	_ =	strace $0x90000046  }
0xb7: {  	s29 =	simm.s32 $0x9;
	_ =	strace $0x80000048  }
0xb8: {  	_ =	swait.ge [sflag:s29], $0x1  }
0xb9: {  	[sflag:s29] =	ssyncadd.s32 $0xFFFFFFFF  }
0xba: {  	_ =	strace $0x90000048  }
0xbb: {  	_ =	sfence  }
0xbc: {  	s30 =	sld [smem:$0x0];
	_ =	sdelay $0x2  }
0xbd: {  	s31 =	sshll.u32 s1, $0xD;
	s1 =	sshrl.u32 s1, $0x2  }
0xbe: {  	s3 =	sand.u32 $0x4000, s31;
	s1 =	sadd.s32 s1, s30  }
0xbf: {  	s0 =	sor.u32 s3, s0;
	s1 =	sshll.u32 s1, $0x11  }
0xc0: {  	s0 =	sor.u32 s1, s0  }
0xc1: {  	s0 =	sadd.s32 $0x8F2B, s0  }
0xc2: {  	[sflag:s0] =	ssyncadd.remote.s32 $0x1  }
0xc3: {  	_ =	sfence.sel $0xFFFF  }
0xc4: {  	[dreg:$0x0] =	wrdreg $0xFFFFFFFF;
	(pc) =	sbr.abs _section_cstart, $3  }
0xc5: {  	[dreg:$0x1] =	wrdreg $0xFFFFFFFF  }
0xc6: {  	_ =	task.clear_ibuf [dreg:s9], $0x2FFFF;
	_ =	strace $0x9FFFFFFF  }
0xc7: {  	(tm) =	ssettm $0x7FFFFFFF  }
tec
execute0_lowered:
.L_overlay_start_1:
0x0: {  	(tag) =	ssettag $0x1  }
0x1: {  	s0 =	rddreg [dreg:$0x0]  }
0x2: {  	s1 =	rddreg [dreg:$0x1]  }
0x3: {  	s2 =	srdreg.scid;
	s5 =	stileid.u32  }
0x4: {  	s3 =	rddreg [dreg:$0x4];
	s13 =	simm.s32 $0x4F00;
	s14 =	simm.s32 $0x1  }
0x5: {  	s15 =	simm.s32 $0x50;
	s16 =	simm.s32 $0x1DF00;
	s17 =	simm.s32 $0x1DF80  }
0x6: {  	s18 =	simm.s32 $0x7700;
	s19 =	simm.s32 $0x1E000;
	s20 =	simm.s32 $0x9F00  }
0x7: {  	s21 =	simm.s32 $0x1E080;
	s22 =	simm.s32 $0xC700;
	s23 =	simm.s32 $0x1E100  }
0x8: {  	s24 =	simm.s32 $0xEF00;
	s28 =	simm.s32 $0x11700;
	s29 =	simm.s32 $0x1E200  }
0x9: {  	s30 =	simm.s32 $0x13F00;
	s2 =	sand.u32 $0x1, s2;
	s4 =	sshll.u32 s5, $0x1  }
0xa: {  	s31 =	simm.s32 $0x1E280;
	s9 =	smul.u32 $0x4E200, s5;
	s6 =	sor.u32 s2, s4  }
0xb: {  	s8 =	ssub.s32 $0x2, s2;
	s10 =	sshll.u32 s2, $0xD;
	s2 =	smul.u32 $0x27100, s2  }
0xc: {  	p0 =	sne.s32 s5, $0x0;
	s4 =	simm.s32 $0x0;
	s7 =	smul.u32 $0x2710, s6  }
0xd: {  	s5 =	simm.s32 $0x1B700;
	[smem:$0x7FF] =	sst s4;
	s6 =	smul.u32 $0x27100, s6  }
0xe: {  	s11 =	sshrl.u32 s8, $0x1;
	s9 =	sadd.s32 s9, s0;
	_ =	strace $0x80000047  }
0xf: {  	s8 =	ssub.s32 s8, s11;
	s25 =	sadd.s32 s2, s9;
	s9 =	sshrl.u32 @!p0 s3, $0x3  }
0x10: {  	s2 =	simm.s32 $0x18F00;
	s11 =	simm.s32 $0x1E380;
	s7 =	sshrl.u32 s7, $0x3  }
0x11: {  	s0 =	sadd.s32 s0, s6;
	s26 =	smax.u32 s8, $0x1;
	[dreg:$0xb] =	wrdreg s9  }
.Ltmp0:
0x12: {  	s8 =	simm.s32 $0x0;
	[dreg:$0x7] =	wrdreg s0;
	(pc) =	sbr.rel .LBB2_1-.Ltmp0, $4  }
0x13: {  	s7 =	sadd.s32 s7, s1;
	[dreg:$0x9] =	wrdreg s26;
	s0 =	sadd.s32 $0x3200, s25  }
0x14: {  	s1 =	sadd.s32 s10, s1;
	s7 =	sadd.s32 $0x1400, s7;
	[dreg:$0xa] =	wrdreg s0  }
0x15: {  	s25 =	simm.s32 $0x2;
	s1 =	sadd.s32 $0x14E00, s1;
	[dreg:$0x6] =	wrdreg s7  }
0x16: {  	s0 =	simm.s32 $0x1E300;
	[dreg:$0x8] =	wrdreg s1;
	s1 =	simm.s32 $0x16700  }
.LBB2_5:
0x17: {  	s6 =	simm.s32 $0x4  }
0x18: {  	_ =	swait.ge [sflag:s6], $0x2800  }
0x19: {  	[sflag:s6] =	ssyncset.done $0x0  }
0x1a: {  	[sflag:s6] =	ssyncadd.s32 $0xFFFFD800  }
0x1b: {  	_ =	swait.ge [sflag:s6], $0x2800  }
0x1c: {  	[sflag:s6] =	ssyncset.done $0x0  }
0x1d: {  	[sflag:s6] =	ssyncadd.s32 $0xFFFFD800  }
0x1e: {  	_ =	swait.ge [sflag:s6], $0x2800  }
0x1f: {  	[sflag:s6] =	ssyncset.done $0x0  }
0x20: {  	[sflag:s6] =	ssyncadd.s32 $0xFFFFD800  }
0x21: {  	_ =	swait.ge [sflag:s6], $0x2800  }
0x22: {  	[sflag:s6] =	ssyncset.done $0x0  }
0x23: {  	[sflag:s6] =	ssyncadd.s32 $0xFFFFD800  }
0x24: {  	_ =	swait.ge [sflag:s6], $0x2800  }
0x25: {  	[sflag:s6] =	ssyncset.done $0x0  }
0x26: {  	s12 =	simm.s32 $0x3;
	[sflag:s6] =	ssyncadd.s32 $0xFFFFD800  }
0x27: {  	_ =	swait.ge [sflag:s12], $0x2800  }
0x28: {  	[sflag:s12] =	ssyncset.done $0x0  }
0x29: {  	[sflag:s12] =	ssyncadd.s32 $0xFFFFD800  }
0x2a: {  	_ =	swait.ge [sflag:s12], $0x2800  }
0x2b: {  	[sflag:s12] =	ssyncset.done $0x0  }
0x2c: {  	[sflag:s12] =	ssyncadd.s32 $0xFFFFD800  }
0x2d: {  	_ =	swait.ge [sflag:s12], $0x2800  }
0x2e: {  	[sflag:s12] =	ssyncset.done $0x0  }
0x2f: {  	[sflag:s12] =	ssyncadd.s32 $0xFFFFD800  }
0x30: {  	_ =	swait.ge [sflag:s12], $0x2800  }
0x31: {  	[sflag:s12] =	ssyncset.done $0x0  }
0x32: {  	[sflag:s12] =	ssyncadd.s32 $0xFFFFD800  }
0x33: {  	_ =	swait.ge [sflag:s12], $0x2800  }
0x34: {  	[sflag:s12] =	ssyncset.done $0x0  }
0x35: {  	[sflag:s12] =	ssyncadd.s32 $0xFFFFD800  }
0x36: {  	[bflag:$0x0] =	sbarrier.arrive $0xFFFF  }
0x37: {  	s7 =	rddreg [dreg:$0x8]  }
0x38: {  	s6 =	simm.s32 @!p0 $0x1C05;
	s9 =	rddreg [dreg:$0xb]  }
0x39: {  	[hbm:s7], [sflag:s6] =	dma.local @!p0 [spmem:s9], $0x2000  }
0x3a: {  	s6 =	simm.s32 @!p0 $0x5  }
0x3b: {  	_ =	swait.ge @!p0 [sflag:s6], $0x2000  }
0x3c: {  	s8 =	rddreg [dreg:$0xc]  }
0x3d: {  	s26 =	rddreg [dreg:$0x9];
	s8 =	sadd.s32 $0x1, s8  }
0x3e: {  	p1 =	sne.s32 s8, s26  }
.Ltmp1:
0x3f: {  	_ = 	snop;
	(pc) =	sbr.rel @!p1 .LBB2_6-.Ltmp1, $3  }
0x40: {  	_ =	sdelay $0x1  }
0x41: {  	[sflag:s6] =	ssyncset.done @!p0 $0x0  }
0x42: {  	[sflag:s6] =	ssyncadd.s32 @!p0 $0xFFFFE000  }
.LBB2_1:
0x43: {  	[dreg:$0xc] =	wrdreg s8  }
0x44: {  	s6 =	rddreg [dreg:$0x2];
	s7 =	simm.s32 $0x5  }
0x45: {  	[tilespmem:s4], [sflag:$0x5] =	stream.linear.gather [hbm4b:s6+s4], $0x2780, $0x38;
	[tilespmem:$0x1F400] =	vst v63  }
0x46: {  	_ =	swait.ge [sflag:s7], $0x2780  }
0x47: {  	[sflag:s7] =	ssyncset.done $0x0  }
0x48: {  	s12 =	simm.s32 $0x2780;
	s10 =	rddreg [dreg:$0x6];
	[sflag:s7] =	ssyncadd.s32 $0xFFFFD880  }
0x49: {  	[tilespmem:s12], [sflag:$0x5] =	stream.linear.gather [hbm4b:s10+s4], $0x2710, $0x38;
	[tilespmem:$0x1F400] =	vst v63  }
0x4a: {  	_ =	swait.ge [sflag:s7], $0x2710  }
0x4b: {  	[sflag:s7] =	ssyncset.done $0x0  }
0x4c: {  	[sflag:s7] =	ssyncadd.s32 $0xFFFFD8F0  }
0x4d: {  	s8 =	simm.s32 @!p0 $0x1C05;
	s6 =	rddreg [dreg:$0x3]  }
0x4e: {  	[spmem:s9], [sflag:s8] =	dma.local @!p0 [hbm:s6], $0x2000  }
0x4f: {  	s8 =	simm.s32 @!p0 $0x5  }
0x50: {  	_ =	swait.ge @!p0 [sflag:s8], $0x2000  }
0x51: {  	[sflag:s8] =	ssyncset.done @!p0 $0x0  }
.Ltmp2:
0x52: {  	[sflag:s8] =	ssyncadd.s32 @!p0 $0xFFFFE000;
	(pc) =	sbr.rel .LBB2_2-.Ltmp2, $4  }
0x53: {  	[bflag:$0x0] =	sbarrier.arrive $0xFFFF  }
0x54: {  	s12 =	simm.s32 $0x1;
	s26 =	rddreg [dreg:$0x7]  }
0x55: {  	s9 =	simm.s32 $0x2910;
	s8 =	simm.s32 $0x0;
	s10 =	rddreg [dreg:$0xa]  }
0x56: {  	[tilespmem:s13], [sflag:$0x1] =	stream.linear.gather [hbm4b:s26+s4], $0xC800, $0x38;
	[tilespmem:$0x1F400] =	vst v63  }
.LBB2_4:
0x57: {  	s8 =	sadd.s32 $0x320, s8  }
0x58: {  	p1 =	sne.s32 s8, $0x28A0  }
.Ltmp3:
0x59: {  	_ = 	snop;
	(pc) =	sbr.rel @!p1 .LBB2_5-.Ltmp3, $2  }
0x5a: {  	_ =	sdelay $0x2  }
0x5b: {  	s10 =	sadd.s32 $0x3200, s10;
	s12 =	sadd.s32 $0x2, s12;
	s9 =	sadd.s32 $0x320, s9  }
.LBB2_2:
0x5c: {  	p1 =	sgt.u32 s12, $0x18  }
0x5d: {  	p2 =	seq.s32 @!p1 s8, $0x0  }
0x5e: {  	p2 =	por p2, p1  }
0x5f: {  	s6 =	simm.s32 @!p2 $0x4  }
0x60: {  	_ =	swait.ge @!p2 [sflag:s6], $0x2800  }
0x61: {  	[sflag:s6] =	ssyncset.done @!p2 $0x0  }
0x62: {  	[sflag:s6] =	ssyncadd.s32 @!p2 $0xFFFFD800  }
0x63: {  	_ =	swait.ge @!p2 [sflag:s6], $0x2800  }
0x64: {  	[sflag:s6] =	ssyncset.done @!p2 $0x0  }
0x65: {  	[sflag:s6] =	ssyncadd.s32 @!p2 $0xFFFFD800  }
0x66: {  	_ =	swait.ge @!p2 [sflag:s6], $0x2800  }
0x67: {  	[sflag:s6] =	ssyncset.done @!p2 $0x0  }
0x68: {  	[sflag:s6] =	ssyncadd.s32 @!p2 $0xFFFFD800  }
0x69: {  	_ =	swait.ge @!p2 [sflag:s6], $0x2800  }
0x6a: {  	[sflag:s6] =	ssyncset.done @!p2 $0x0  }
0x6b: {  	[sflag:s6] =	ssyncadd.s32 @!p2 $0xFFFFD800  }
0x6c: {  	_ =	swait.ge @!p2 [sflag:s6], $0x2800  }
0x6d: {  	s7 =	simm.s32 @!p1 $0x0;
	[sflag:s6] =	ssyncset.done @!p2 $0x0  }
0x6e: {  	s26 =	simm.s32 @!p1 $0x11700;
	[sflag:s6] =	ssyncadd.s32 @!p2 $0xFFFFD800;
	s6 =	sadd.s32 @!p1 $0xFFFFE700, s10  }
0x6f: {  	[tilespmem:s26], [sflag:$0x2] =	stream.linear.gather @!p1 [hbm4b:s6+s7], $0xC800, $0x38;
	[tilespmem:$0x1F400] =	vst v63  }
0x70: {  	v0 =	vld [tilespmem:s9+$0xFFFFFE70];
	_ =	sdelay $0x7  }
0x71: {  	v0 =	vld.idx.msk [tilespmem:v0+s4+$0x0], $0xffff;
	_ =	sdelay $0x4  }
0x72: {  	[tilespmem:$0x1DF00] =	vst v0  }
0x73: {  	v0 =	vld [tilespmem:s9+$0xFFFFFE80];
	_ =	sdelay $0x7  }
0x74: {  	v0 =	vld.idx.msk [tilespmem:v0+s4+$0x0], $0xffff;
	_ =	sdelay $0x4  }
0x75: {  	[tilespmem:$0x1DF10] =	vst v0  }
0x76: {  	v0 =	vld [tilespmem:s9+$0xFFFFFE90];
	_ =	sdelay $0x7  }
0x77: {  	v0 =	vld.idx.msk [tilespmem:v0+s4+$0x0], $0xffff;
	_ =	sdelay $0x4  }
0x78: {  	[tilespmem:$0x1DF20] =	vst v0  }
0x79: {  	v0 =	vld [tilespmem:s9+$0xFFFFFEA0];
	_ =	sdelay $0x7  }
0x7a: {  	v0 =	vld.idx.msk [tilespmem:v0+s4+$0x0], $0xffff;
	_ =	sdelay $0x4  }
0x7b: {  	[tilespmem:$0x1DF30] =	vst v0  }
0x7c: {  	v0 =	vld [tilespmem:s9+$0xFFFFFEB0];
	_ =	sdelay $0x7  }
0x7d: {  	v0 =	vld.idx.msk [tilespmem:v0+s4+$0x0], $0xffff;
	_ =	sdelay $0x4  }
0x7e: {  	[tilespmem:$0x1DF40] =	vst v0  }
0x7f: {  	v0 =	vld [tilespmem:s9+$0xFFFFFEC0];
	_ =	sdelay $0x7  }
0x80: {  	v0 =	vld.idx.msk [tilespmem:v0+s4+$0x0], $0xffff;
	_ =	sdelay $0x4  }
0x81: {  	[tilespmem:$0x1DF80] =	vst v0  }
0x82: {  	v0 =	vld [tilespmem:s9+$0xFFFFFED0];
	_ =	sdelay $0x7  }
0x83: {  	v0 =	vld.idx.msk [tilespmem:v0+s4+$0x0], $0xffff;
	_ =	sdelay $0x4  }
0x84: {  	[tilespmem:$0x1DF90] =	vst v0  }
0x85: {  	v0 =	vld [tilespmem:s9+$0xFFFFFEE0];
	_ =	sdelay $0x7  }
0x86: {  	v0 =	vld.idx.msk [tilespmem:v0+s4+$0x0], $0xffff;
	_ =	sdelay $0x4  }
0x87: {  	s26 =	sand.u32 $0x3FE0, s8;
	[tilespmem:$0x1DFA0] =	vst v0  }
0x88: {  	v0 =	vld [tilespmem:s26+$0x2800];
	_ =	sdelay $0x7  }
0x89: {  	v0 =	vld.idx.msk [tilespmem:v0+s4+$0x0], $0xffff;
	_ =	sdelay $0x4  }
0x8a: {  	[tilespmem:$0x1DFB0] =	vst v0  }
0x8b: {  	v0 =	vld [tilespmem:s9+$0xFFFFFF00];
	_ =	sdelay $0x7  }
0x8c: {  	v0 =	vld.idx.msk [tilespmem:v0+s4+$0x0], $0xffff;
	_ =	sdelay $0x4  }
0x8d: {  	[tilespmem:$0x1DFC0] =	vst v0  }
0x8e: {  	v0 =	vld [tilespmem:s9+$0xFFFFFF10];
	_ =	sdelay $0x7  }
0x8f: {  	v0 =	vld.idx.msk [tilespmem:v0+s4+$0x0], $0xffff;
	_ =	sdelay $0x4  }
0x90: {  	[tilespmem:$0x1E000] =	vst v0  }
0x91: {  	v0 =	vld [tilespmem:s9+$0xFFFFFF20];
	_ =	sdelay $0x7  }
0x92: {  	v0 =	vld.idx.msk [tilespmem:v0+s4+$0x0], $0xffff;
	_ =	sdelay $0x4  }
0x93: {  	[tilespmem:$0x1E010] =	vst v0  }
0x94: {  	v0 =	vld [tilespmem:s9+$0xFFFFFF30];
	_ =	sdelay $0x7  }
0x95: {  	v0 =	vld.idx.msk [tilespmem:v0+s4+$0x0], $0xffff;
	_ =	sdelay $0x4  }
0x96: {  	[tilespmem:$0x1E020] =	vst v0  }
0x97: {  	v0 =	vld [tilespmem:s9+$0xFFFFFF40];
	_ =	sdelay $0x7  }
0x98: {  	v0 =	vld.idx.msk [tilespmem:v0+s4+$0x0], $0xffff;
	_ =	sdelay $0x4  }
0x99: {  	[tilespmem:$0x1E030] =	vst v0  }
0x9a: {  	v0 =	vld [tilespmem:s9+$0xFFFFFF50];
	_ =	sdelay $0x7  }
0x9b: {  	v0 =	vld.idx.msk [tilespmem:v0+s4+$0x0], $0xffff;
	_ =	sdelay $0x4  }
0x9c: {  	[tilespmem:$0x1E040] =	vst v0  }
0x9d: {  	v0 =	vld [tilespmem:s9+$0xFFFFFF60];
	_ =	sdelay $0x7  }
0x9e: {  	v0 =	vld.idx.msk [tilespmem:v0+s4+$0x0], $0xffff;
	_ =	sdelay $0x4  }
0x9f: {  	[tilespmem:$0x1E080] =	vst v0  }
0xa0: {  	v0 =	vld [tilespmem:s26+$0x2880];
	_ =	sdelay $0x7  }
0xa1: {  	v0 =	vld.idx.msk [tilespmem:v0+s4+$0x0], $0xffff;
	_ =	sdelay $0x4  }
0xa2: {  	[tilespmem:$0x1E090] =	vst v0  }
0xa3: {  	v0 =	vld [tilespmem:s9+$0xFFFFFF80];
	_ =	sdelay $0x7  }
0xa4: {  	v0 =	vld.idx.msk [tilespmem:v0+s4+$0x0], $0xffff;
	_ =	sdelay $0x4  }
0xa5: {  	[tilespmem:$0x1E0A0] =	vst v0  }
0xa6: {  	v0 =	vld [tilespmem:s9+$0xFFFFFF90];
	_ =	sdelay $0x7  }
0xa7: {  	v0 =	vld.idx.msk [tilespmem:v0+s4+$0x0], $0xffff;
	_ =	sdelay $0x4  }
0xa8: {  	[tilespmem:$0x1E0B0] =	vst v0  }
0xa9: {  	v0 =	vld [tilespmem:s9+$0xFFFFFFA0];
	_ =	sdelay $0x7  }
0xaa: {  	v0 =	vld.idx.msk [tilespmem:v0+s4+$0x0], $0xffff;
	_ =	sdelay $0x4  }
0xab: {  	[tilespmem:$0x1E0C0] =	vst v0  }
0xac: {  	v0 =	vld [tilespmem:s9+$0xFFFFFFB0];
	_ =	sdelay $0x7  }
0xad: {  	v0 =	vld.idx.msk [tilespmem:v0+s4+$0x0], $0xffff;
	_ =	sdelay $0x4  }
0xae: {  	[tilespmem:$0x1E100] =	vst v0  }
0xaf: {  	v0 =	vld [tilespmem:s9+$0xFFFFFFC0];
	_ =	sdelay $0x7  }
0xb0: {  	v0 =	vld.idx.msk [tilespmem:v0+s4+$0x0], $0xffff;
	_ =	sdelay $0x4  }
0xb1: {  	[tilespmem:$0x1E110] =	vst v0  }
0xb2: {  	v0 =	vld [tilespmem:s9+$0xFFFFFFD0];
	_ =	sdelay $0x7  }
0xb3: {  	v0 =	vld.idx.msk [tilespmem:v0+s4+$0x0], $0xffff;
	_ =	sdelay $0x4  }
0xb4: {  	[tilespmem:$0x1E120] =	vst v0  }
0xb5: {  	v0 =	vld [tilespmem:s9+$0xFFFFFFE0];
	_ =	sdelay $0x7  }
0xb6: {  	v0 =	vld.idx.msk [tilespmem:v0+s4+$0x0], $0xffff;
	_ =	sdelay $0x4  }
0xb7: {  	[tilespmem:$0x1E130] =	vst v0  }
0xb8: {  	v0 =	vld [tilespmem:s26+$0x2900];
	_ =	sdelay $0x7  }
0xb9: {  	v0 =	vld.idx.msk [tilespmem:v0+s4+$0x0], $0xffff;
	_ =	sdelay $0x4  }
0xba: {  	[tilespmem:$0x1E140] =	vst v0  }
0xbb: {  	_ =	swait.ge [sflag:s14], $0xC800  }
0xbc: {  	[sflag:s14] =	ssyncset.done $0x0  }
0xbd: {  	[sflag:s14] =	ssyncadd.s32 $0xFFFF3800  }
0xbe: {  	[spmem:s3] =	stream.indirect.scatter.add.f32 [tilespmem:s13], [sflag:$0x3], $0x80, s16, s15, $0xb8;
	[tilespmem:$0x1F400] =	vst v63  }
0xbf: {  	_ = 	snop  }
0xc0: {  	[spmem:s3] =	stream.indirect.scatter.add.f32 [tilespmem:s18], [sflag:$0x3], $0x80, s17, s15, $0xb8;
	[tilespmem:$0x1F400] =	vst v63  }
0xc1: {  	_ = 	snop  }
0xc2: {  	[spmem:s3] =	stream.indirect.scatter.add.f32 [tilespmem:s20], [sflag:$0x3], $0x80, s19, s15, $0xb8;
	[tilespmem:$0x1F400] =	vst v63  }
0xc3: {  	p2 =	seq.s32 s8, $0x2580  }
0xc4: {  	[spmem:s3] =	stream.indirect.scatter.add.f32 [tilespmem:s22], [sflag:$0x3], $0x80, s21, s15, $0xb8;
	[tilespmem:$0x1F400] =	vst v63  }
0xc5: {  	s6 =	simm.s32 @!p2 $0x3  }
0xc6: {  	[spmem:s3] =	stream.indirect.scatter.add.f32 [tilespmem:s24], [sflag:$0x3], $0x80, s23, s15, $0xb8;
	[tilespmem:$0x1F400] =	vst v63  }
0xc7: {  	_ =	swait.ge @!p2 [sflag:s6], $0x2800  }
0xc8: {  	[sflag:s6] =	ssyncset.done @!p2 $0x0  }
0xc9: {  	[sflag:s6] =	ssyncadd.s32 @!p2 $0xFFFFD800  }
0xca: {  	_ =	swait.ge @!p2 [sflag:s6], $0x2800  }
0xcb: {  	[sflag:s6] =	ssyncset.done @!p2 $0x0  }
0xcc: {  	[sflag:s6] =	ssyncadd.s32 @!p2 $0xFFFFD800  }
0xcd: {  	_ =	swait.ge @!p2 [sflag:s6], $0x2800  }
0xce: {  	[sflag:s6] =	ssyncset.done @!p2 $0x0  }
0xcf: {  	[sflag:s6] =	ssyncadd.s32 @!p2 $0xFFFFD800  }
0xd0: {  	_ =	swait.ge @!p2 [sflag:s6], $0x2800  }
0xd1: {  	[sflag:s6] =	ssyncset.done @!p2 $0x0  }
.Ltmp4:
0xd2: {  	[sflag:s6] =	ssyncadd.s32 @!p2 $0xFFFFD800;
	(pc) =	sbr.rel @p1 .LBB2_4-.Ltmp4, $4  }
0xd3: {  	_ =	swait.ge @!p2 [sflag:s6], $0x2800  }
0xd4: {  	[sflag:s6] =	ssyncset.done @!p2 $0x0  }
0xd5: {  	s7 =	simm.s32 @!p2 $0x4F00;
	[sflag:s6] =	ssyncadd.s32 @!p2 $0xFFFFD800;
	s6 =	simm.s32 @!p2 $0x0  }
0xd6: {  	[tilespmem:s7], [sflag:$0x1] =	stream.linear.gather @!p2 [hbm4b:s10+s6], $0xC800, $0x38;
	[tilespmem:$0x1F400] =	vst v63  }
0xd7: {  	v0 =	vld [tilespmem:s9+$0x0];
	_ =	sdelay $0x7  }
0xd8: {  	v0 =	vld.idx.msk [tilespmem:v0+s4+$0x0], $0xffff;
	_ =	sdelay $0x4  }
0xd9: {  	[tilespmem:$0x1E180] =	vst v0  }
0xda: {  	v0 =	vld [tilespmem:s9+$0x10];
	_ =	sdelay $0x7  }
0xdb: {  	v0 =	vld.idx.msk [tilespmem:v0+s4+$0x0], $0xffff;
	_ =	sdelay $0x4  }
0xdc: {  	[tilespmem:$0x1E190] =	vst v0  }
0xdd: {  	v0 =	vld [tilespmem:s9+$0x20];
	_ =	sdelay $0x7  }
0xde: {  	v0 =	vld.idx.msk [tilespmem:v0+s4+$0x0], $0xffff;
	_ =	sdelay $0x4  }
0xdf: {  	[tilespmem:$0x1E1A0] =	vst v0  }
0xe0: {  	v0 =	vld [tilespmem:s9+$0x30];
	_ =	sdelay $0x7  }
0xe1: {  	v0 =	vld.idx.msk [tilespmem:v0+s4+$0x0], $0xffff;
	_ =	sdelay $0x4  }
0xe2: {  	[tilespmem:$0x1E1B0] =	vst v0  }
0xe3: {  	v0 =	vld [tilespmem:s9+$0x40];
	_ =	sdelay $0x7  }
0xe4: {  	v0 =	vld.idx.msk [tilespmem:v0+s4+$0x0], $0xffff;
	_ =	sdelay $0x4  }
0xe5: {  	[tilespmem:$0x1E1C0] =	vst v0  }
0xe6: {  	v0 =	vld [tilespmem:s9+$0x50];
	_ =	sdelay $0x7  }
0xe7: {  	v0 =	vld.idx.msk [tilespmem:v0+s4+$0x0], $0xffff;
	_ =	sdelay $0x4  }
0xe8: {  	[tilespmem:$0x1E200] =	vst v0  }
0xe9: {  	v0 =	vld [tilespmem:s9+$0x60];
	_ =	sdelay $0x7  }
0xea: {  	v0 =	vld.idx.msk [tilespmem:v0+s4+$0x0], $0xffff;
	_ =	sdelay $0x4  }
0xeb: {  	[tilespmem:$0x1E210] =	vst v0  }
0xec: {  	v0 =	vld [tilespmem:s9+$0x70];
	_ =	sdelay $0x7  }
0xed: {  	v0 =	vld.idx.msk [tilespmem:v0+s4+$0x0], $0xffff;
	_ =	sdelay $0x3  }
0xee: {  	s6 =	sadd.s32 $0x190, s8  }
0xef: {  	s6 =	sand.u32 $0x3FF0, s6;
	[tilespmem:$0x1E220] =	vst v0  }
0xf0: {  	v0 =	vld [tilespmem:s6+$0x2800];
	_ =	sdelay $0x7  }
0xf1: {  	v0 =	vld.idx.msk [tilespmem:v0+s4+$0x0], $0xffff;
	_ =	sdelay $0x4  }
0xf2: {  	[tilespmem:$0x1E230] =	vst v0  }
0xf3: {  	v0 =	vld [tilespmem:s9+$0x90];
	_ =	sdelay $0x7  }
0xf4: {  	v0 =	vld.idx.msk [tilespmem:v0+s4+$0x0], $0xffff;
	_ =	sdelay $0x4  }
0xf5: {  	[tilespmem:$0x1E240] =	vst v0  }
0xf6: {  	v0 =	vld [tilespmem:s9+$0xA0];
	_ =	sdelay $0x7  }
0xf7: {  	v0 =	vld.idx.msk [tilespmem:v0+s4+$0x0], $0xffff;
	_ =	sdelay $0x4  }
0xf8: {  	[tilespmem:$0x1E280] =	vst v0  }
0xf9: {  	v0 =	vld [tilespmem:s9+$0xB0];
	_ =	sdelay $0x7  }
0xfa: {  	v0 =	vld.idx.msk [tilespmem:v0+s4+$0x0], $0xffff;
	_ =	sdelay $0x4  }
0xfb: {  	[tilespmem:$0x1E290] =	vst v0  }
0xfc: {  	v0 =	vld [tilespmem:s9+$0xC0];
	_ =	sdelay $0x7  }
0xfd: {  	v0 =	vld.idx.msk [tilespmem:v0+s4+$0x0], $0xffff;
	_ =	sdelay $0x4  }
0xfe: {  	[tilespmem:$0x1E2A0] =	vst v0  }
0xff: {  	v0 =	vld [tilespmem:s9+$0xD0];
	_ =	sdelay $0x7  }
0x100: {  	v0 =	vld.idx.msk [tilespmem:v0+s4+$0x0], $0xffff;
	_ =	sdelay $0x4  }
0x101: {  	[tilespmem:$0x1E2B0] =	vst v0  }
0x102: {  	v0 =	vld [tilespmem:s9+$0xE0];
	_ =	sdelay $0x7  }
0x103: {  	v0 =	vld.idx.msk [tilespmem:v0+s4+$0x0], $0xffff;
	_ =	sdelay $0x4  }
0x104: {  	[tilespmem:$0x1E2C0] =	vst v0  }
0x105: {  	v0 =	vld [tilespmem:s9+$0xF0];
	_ =	sdelay $0x7  }
0x106: {  	v0 =	vld.idx.msk [tilespmem:v0+s4+$0x0], $0xffff;
	_ =	sdelay $0x4  }
0x107: {  	[tilespmem:$0x1E300] =	vst v0  }
0x108: {  	v0 =	vld [tilespmem:s6+$0x2880];
	_ =	sdelay $0x7  }
0x109: {  	v0 =	vld.idx.msk [tilespmem:v0+s4+$0x0], $0xffff;
	_ =	sdelay $0x4  }
0x10a: {  	[tilespmem:$0x1E310] =	vst v0  }
0x10b: {  	v0 =	vld [tilespmem:s9+$0x110];
	_ =	sdelay $0x7  }
0x10c: {  	v0 =	vld.idx.msk [tilespmem:v0+s4+$0x0], $0xffff;
	_ =	sdelay $0x4  }
0x10d: {  	[tilespmem:$0x1E320] =	vst v0  }
0x10e: {  	v0 =	vld [tilespmem:s9+$0x120];
	_ =	sdelay $0x7  }
0x10f: {  	v0 =	vld.idx.msk [tilespmem:v0+s4+$0x0], $0xffff;
	_ =	sdelay $0x4  }
0x110: {  	[tilespmem:$0x1E330] =	vst v0  }
0x111: {  	v0 =	vld [tilespmem:s9+$0x130];
	_ =	sdelay $0x7  }
0x112: {  	v0 =	vld.idx.msk [tilespmem:v0+s4+$0x0], $0xffff;
	_ =	sdelay $0x4  }
0x113: {  	[tilespmem:$0x1E340] =	vst v0  }
0x114: {  	v0 =	vld [tilespmem:s9+$0x140];
	_ =	sdelay $0x7  }
0x115: {  	v0 =	vld.idx.msk [tilespmem:v0+s4+$0x0], $0xffff;
	_ =	sdelay $0x4  }
0x116: {  	[tilespmem:$0x1E380] =	vst v0  }
0x117: {  	v0 =	vld [tilespmem:s9+$0x150];
	_ =	sdelay $0x7  }
0x118: {  	v0 =	vld.idx.msk [tilespmem:v0+s4+$0x0], $0xffff;
	_ =	sdelay $0x4  }
0x119: {  	[tilespmem:$0x1E390] =	vst v0  }
0x11a: {  	v0 =	vld [tilespmem:s9+$0x160];
	_ =	sdelay $0x7  }
0x11b: {  	v0 =	vld.idx.msk [tilespmem:v0+s4+$0x0], $0xffff;
	_ =	sdelay $0x4  }
0x11c: {  	[tilespmem:$0x1E3A0] =	vst v0  }
0x11d: {  	v0 =	vld [tilespmem:s9+$0x170];
	_ =	sdelay $0x7  }
0x11e: {  	v0 =	vld.idx.msk [tilespmem:v0+s4+$0x0], $0xffff;
	_ =	sdelay $0x4  }
0x11f: {  	[tilespmem:$0x1E3B0] =	vst v0  }
0x120: {  	v0 =	vld [tilespmem:s6+$0x2900];
	_ =	sdelay $0x7  }
0x121: {  	v0 =	vld.idx.msk [tilespmem:v0+s4+$0x0], $0xffff;
	_ =	sdelay $0x4  }
0x122: {  	[tilespmem:$0x1E3C0] =	vst v0  }
0x123: {  	_ =	swait.ge [sflag:s25], $0xC800  }
0x124: {  	[sflag:s25] =	ssyncset.done $0x0  }
0x125: {  	s26 =	simm.s32 $0x1E180;
	[sflag:s25] =	ssyncadd.s32 $0xFFFF3800  }
0x126: {  	[spmem:s3] =	stream.indirect.scatter.add.f32 [tilespmem:s28], [sflag:$0x4], $0x80, s26, s15, $0xb8;
	[tilespmem:$0x1F400] =	vst v63  }
0x127: {  	_ = 	snop  }
0x128: {  	[spmem:s3] =	stream.indirect.scatter.add.f32 [tilespmem:s30], [sflag:$0x4], $0x80, s29, s15, $0xb8;
	[tilespmem:$0x1F400] =	vst v63  }
0x129: {  	_ = 	snop  }
0x12a: {  	[spmem:s3] =	stream.indirect.scatter.add.f32 [tilespmem:s1], [sflag:$0x4], $0x80, s31, s15, $0xb8;
	[tilespmem:$0x1F400] =	vst v63  }
.Ltmp5:
0x12b: {  	_ = 	snop;
	(pc) =	sbr.rel .LBB2_4-.Ltmp5, $4  }
0x12c: {  	_ = 	snop  }
0x12d: {  	[spmem:s3] =	stream.indirect.scatter.add.f32 [tilespmem:s2], [sflag:$0x4], $0x80, s0, s15, $0xb8;
	[tilespmem:$0x1F400] =	vst v63  }
0x12e: {  	_ = 	snop  }
0x12f: {  	[spmem:s3] =	stream.indirect.scatter.add.f32 [tilespmem:s5], [sflag:$0x4], $0x80, s11, s15, $0xb8;
	[tilespmem:$0x1F400] =	vst v63  }
.LBB2_6:
0x130: {  	_ =	sfence.sel $0x180000  }
0x131: {  	[bflag:$0x0] =	sbarrier.arrive $0xFFFF  }
0x132: {  	_ =	strace $0x90000047  }
0x133: {  	[bflag:$0x2] =	sbarrier.arrive $0xFFFF  }
0x134: {  	s0 =	rddreg [dreg:$0x5]  }
0x135: {  	s0 =	sadd.s32 @!p0 $0x100000, s0  }
0x136: {  	[sflag:s0] =	ssyncadd.tile.s32 @!p0 $0x1;
	_ =	shalt  }
.Lfunc_end2:
_tile_overlayer_lowered:
.L_overlay_start_2:
0x137: {  	(tag) =	ssettag $0x2  }
0x138: {  	s0 =	rddreg [dreg:$0x0];
	s2 =	stileid.u32  }
0x139: {  	s1 =	rddreg [dreg:$0x1];
	p0 =	sne.s32 s2, $0x0  }
0x13a: {  	s3 =	rddreg [dreg:$0x2];
	[bflag:$0x3] =	sbarrier.arrive $0xFFFF;
	s2 =	simm.s32 @!p0 $0x1C05  }
0x13b: {  	[timem:s3], [sflag:s2] =	dma.local @!p0 [hbm:s0], s1  }
0x13c: {  	s0 =	simm.s32 @!p0 $0x5  }
0x13d: {  	_ =	swait.ge @!p0 [sflag:s0], s1  }
0x13e: {  	s1 =	ssub.s32 @!p0 $0x0, s1;
	[sflag:s0] =	ssyncset.done @!p0 $0x0  }
0x13f: {  	[sflag:s0] =	ssyncadd.s32 @!p0 s1  }
0x140: {  	[bflag:$0x3] =	sbarrier.arrive $0xFFFF  }
0x141: {  	_ =	shalt  }

</sc_bundles>
